<compile_context>
chip_gen: v7x
topology: tpu7x:2x2x1
jax: 0.10.2.dev20260603
libtpu: 0.0.44.dev20260713+nightly
codegen_flags: <defaults>
</compile_context>

<pallas_src>
import functools

import jax
import jax.numpy as jnp
from jax import lax
from jax.experimental import pallas as pl
from jax.experimental.pallas import tpu as pltpu
from jax.experimental.pallas import tpu_sc as plsc

BATCH = 16384
DF = 64
DW = 128

_NC = 2
_NS = 16
_NW = _NC * _NS
_BPW = BATCH // _NW
_CH = 128
_NCH = _BPW // _CH
_HALF = _BPW // 2



_RBLK = 5000
_NSLOT = 3


def _repack_body(nblk, in_hbm, out_ref, buf, sems):
    i = pl.program_id(0)

    def start(k):
        return pltpu.make_async_copy(
            in_hbm.at[pl.ds(k * 2 * _RBLK, 2 * _RBLK), :],
            buf.at[k % _NSLOT], sems.at[k % _NSLOT]).start()

    @pl.when(i == 0)
    def _():
        for k in range(_NSLOT - 1):
            start(k)

    @pl.when(i + _NSLOT - 1 < nblk)
    def _():
        start(i + _NSLOT - 1)

    pltpu.make_async_copy(
        in_hbm.at[pl.ds(i * 2 * _RBLK, 2 * _RBLK), :],
        buf.at[i % _NSLOT], sems.at[i % _NSLOT]).wait()
    x = buf[i % _NSLOT].reshape(_RBLK, 2, DF)
    out_ref[...] = jnp.concatenate([x[:, 0, :], x[:, 1, :]], axis=-1)


def _repack(table):
    n2 = table.shape[0] // 2
    nblk = n2 // _RBLK
    return pl.pallas_call(
        functools.partial(_repack_body, nblk),
        grid=(nblk,),
        in_specs=[pl.BlockSpec(memory_space=pl.ANY)],
        out_specs=pl.BlockSpec((_RBLK, DW), lambda i: (i, 0)),
        out_shape=jax.ShapeDtypeStruct((n2, DW), jnp.float32),
        scratch_shapes=[
            pltpu.VMEM((_NSLOT, 2 * _RBLK, DF), jnp.float32),
            pltpu.SemaphoreType.DMA((_NSLOT,)),
        ],
    )(table)



@functools.cache
def _make_sc_gather():
    mesh = plsc.VectorSubcoreMesh(core_axis_name="c", subcore_axis_name="s")

    def _body(idx_hbm, tab_hbm, out_hbm, idx_v, rows_v, gsem, wsem):
        wid = lax.axis_index("s") * _NC + lax.axis_index("c")
        base = wid * _BPW
        pltpu.sync_copy(idx_hbm.at[pl.ds(wid * _NCH, _NCH)], idx_v)
        writes = []
        for p in range(2):
            if p:
                for w in writes:
                    w.wait()
                writes = []
            gathers = []
            for j in range(2):
                c = 2 * p + j
                gathers.append(pltpu.async_copy(
                    tab_hbm.at[idx_v.at[c]],
                    rows_v.at[pl.ds(j * _CH, _CH)], gsem))
            for g in gathers:
                g.wait()
            writes.append(pltpu.async_copy(
                rows_v, out_hbm.at[pl.ds(base + p * _HALF, _HALF)], wsem))
        for w in writes:
            w.wait()

    return pl.kernel(
        _body,
        mesh=mesh,
        out_type=jax.ShapeDtypeStruct((BATCH, DW), jnp.float32),
        scratch_types=[
            pltpu.VMEM((_NCH, _CH), jnp.int32),
            pltpu.VMEM((_HALF, DW), jnp.float32),
            pltpu.SemaphoreType.DMA,
            pltpu.SemaphoreType.DMA,
        ],
    )



_BLK = 1024


def _mlp_body(u_ref, s_ref, up_ref, sp_ref, w0u_ref, w0s_ref, b0_ref,
              w1_ref, b1_ref, w2_ref, b2_ref, w3_ref, b3_ref, out_ref):
    u2 = u_ref[...]
    s2 = s_ref[...]
    u = jnp.where(up_ref[...] != 0, u2[:, DF:], u2[:, :DF])
    s = jnp.where(sp_ref[...] != 0, s2[:, DF:], s2[:, :DF])
    x = (jnp.dot(u, w0u_ref[...], preferred_element_type=jnp.float32)
         + jnp.dot(s, w0s_ref[...], preferred_element_type=jnp.float32)
         + b0_ref[...])
    x = jnp.maximum(x, 0.0)
    x = jnp.dot(x, w1_ref[...], preferred_element_type=jnp.float32) + b1_ref[...]
    x = jnp.maximum(x, 0.0)
    x = jnp.dot(x, w2_ref[...], preferred_element_type=jnp.float32) + b2_ref[...]
    x = jnp.maximum(x, 0.0)
    out_ref[...] = jnp.sum(x * w3_ref[...], axis=1) + b3_ref[0, 0]


def _mlp(u, s, up, sp, w0u, w0s, b0, w1, b1, w2, b2, w3, b3):
    grid = (BATCH // _BLK,)
    full = lambda shape: pl.BlockSpec(shape, lambda i: (0,) * len(shape))
    return pl.pallas_call(
        _mlp_body,
        grid=grid,
        in_specs=[
            pl.BlockSpec((_BLK, DW), lambda i: (i, 0)),
            pl.BlockSpec((_BLK, DW), lambda i: (i, 0)),
            pl.BlockSpec((_BLK, 1), lambda i: (i, 0)),
            pl.BlockSpec((_BLK, 1), lambda i: (i, 0)),
            full((DF, 128)),
            full((DF, 128)),
            full((1, 128)),
            full((128, 64)),
            full((1, 64)),
            full((64, 32)),
            full((1, 32)),
            full((1, 32)),
            full((1, 1)),
        ],
        out_specs=pl.BlockSpec((_BLK,), lambda i: (i,)),
        out_shape=jax.ShapeDtypeStruct((BATCH,), jnp.float32),
    )(u, s, up, sp, w0u, w0s, b0, w1, b1, w2, b2, w3, b3)


def kernel(user_ids, song_ids, user_table, song_table,
           W0, b0, W1, b1, W2, b2, W3, b3):
    uid = user_ids.astype(jnp.int32)
    sid = song_ids.astype(jnp.int32)
    uidx = (uid >> 1).reshape(_NW * _NCH, _CH)
    sidx = (sid >> 1).reshape(_NW * _NCH, _CH)
    upar = (uid & 1).reshape(BATCH, 1)
    spar = (sid & 1).reshape(BATCH, 1)
    st2 = _repack(song_table)
    ut2 = _repack(user_table)
    gather = _make_sc_gather()
    s = gather(sidx, st2)
    u = gather(uidx, ut2)
    w0t = W0.T
    return _mlp(
        u, s, upar, spar,
        w0t[:DF], w0t[DF:], b0.reshape(1, 128),
        W1.T, b1.reshape(1, 64),
        W2.T, b2.reshape(1, 32),
        W3, b3.reshape(1, 1),
    )

# --- scband reference (transcript-rebuilt; emitter-appended) ---
"""Pipeline reference for scband-neural-collaborative-filtering-43387759624374 (READ-ONLY COPY).

The authoritative reference and input builder live on the scoring server;
editing this copy changes nothing except your own understanding.
"""

import jax, jax.numpy as jnp
import numpy as np

N_USERS = 1000000
N_SONGS = 100000
N_FACTORS = 64
HIDDEN = [128, 64, 32]
BATCH = 16384

def setup_inputs(seed: int = 0) -> dict:
    key = jax.random.key(seed)
    ks = jax.random.split(key, 12)
    user_ids = jax.random.randint(ks[0], (BATCH,), 0, N_USERS)
    song_ids = jax.random.randint(ks[1], (BATCH,), 0, N_SONGS)
    user_table = jax.random.normal(ks[2], (N_USERS, N_FACTORS), dtype=jnp.float32) * 0.01
    song_table = jax.random.normal(ks[3], (N_SONGS, N_FACTORS), dtype=jnp.float32) * 0.01
    dims = [N_FACTORS * 2] + HIDDEN + [1]
    params = {}
    for i in range(len(dims) - 1):
        fan_in = dims[i]
        bound = 1.0 / np.sqrt(fan_in)
        params[f'W{i}'] = jax.random.uniform(ks[4 + 2 * i], (dims[i + 1], dims[i]), minval=-bound, maxval=bound, dtype=jnp.float32)
        params[f'b{i}'] = jax.random.uniform(ks[5 + 2 * i], (dims[i + 1],), minval=-bound, maxval=bound, dtype=jnp.float32)
    return dict(user_ids=user_ids, song_ids=song_ids, user_table=user_table, song_table=song_table, **params)

def reference(user_ids, song_ids, user_table, song_table, W0, b0, W1, b1, W2, b2, W3, b3):
    u = jnp.take(user_table, user_ids, axis=0)
    s = jnp.take(song_table, song_ids, axis=0)
    x = jnp.concatenate([u, s], axis=-1)
    # MLP (dropout is identity in eval mode)
    x = jax.nn.relu(x @ W0.T + b0)
    x = jax.nn.relu(x @ W1.T + b1)
    x = jax.nn.relu(x @ W2.T + b2)
    x = x @ W3.T + b3
    return jnp.squeeze(x, axis=-1)

if __name__ == "__main__":
    import jax
    _d = setup_inputs()
    print(jax.jit(kernel)(*tuple(_d.values())))

</pallas_src>

<mosaic_0001>
#map = affine_map<(d0, d1) -> (0, 0)>
module attributes {stable_mosaic.version = 14 : i64} {
  func.func @_body(%arg0: i32, %arg1: i32, %arg2: memref<128x128xi32, #tpu.memory_space<hbm>>, %arg3: memref<500000x128xf32, #tpu.memory_space<hbm>>, %arg4: memref<16384x128xf32, #tpu.memory_space<hbm>>, %arg5: memref<4x128xi32, #tpu.memory_space<vmem>>, %arg6: memref<256x128xf32, #tpu.memory_space<vmem>>, %arg7: memref<!tpu.dma_semaphore, #tpu.memory_space<semaphore_mem>>, %arg8: memref<!tpu.dma_semaphore, #tpu.memory_space<semaphore_mem>>) attributes {dimension_semantics = [#tpu.dimension_semantics<core_parallel>, #tpu.dimension_semantics<subcore_parallel>], iteration_bounds = array<i64: 2, 16>, scalar_prefetch = 0 : i64, scratch_operands = 4 : i64, tpu.core_type = #tpu.core_type<sc_vector_subcore>, window_params = [{transform_indices = #map}, {transform_indices = #map}, {transform_indices = #map}]} {
    %mul3A = arith.constant 2 : i32
    %mul3A_0 = arith.muli %arg1, %mul3A : i32
    %add3A = arith.addi %mul3A_0, %arg0 : i32
    %mul3A_1 = arith.constant 512 : i32
    %mul3A_2 = arith.muli %add3A, %mul3A_1 : i32
    %mul3A_3 = arith.constant 4 : i32
    %mul3A_4 = arith.muli %add3A, %mul3A_3 : i32
    "tpu.region"() ({
      %run_scoped3A = tpu.sem_alloc : memref<!tpu.dma_semaphore, #tpu.memory_space<semaphore_mem>>
      %dma_start3A_103 = arith.constant 0 : i32
      %dma_start3A_104 = tpu.memref_slice %arg2[%mul3A_4, %dma_start3A_103] : memref<128x128xi32, #tpu.memory_space<hbm>> -> memref<4x128xi32, #tpu.memory_space<hbm>>
      %dma_start3A_105 = arith.constant 0 : i32
      %dma_start3A_106 = tpu.memref_slice %arg2[%mul3A_4, %dma_start3A_105] : memref<128x128xi32, #tpu.memory_space<hbm>> -> memref<4x128xi32, #tpu.memory_space<hbm>>
      tpu.enqueue_dma source(%dma_start3A_106 : memref<4x128xi32, #tpu.memory_space<hbm>>) target(%arg5 : memref<4x128xi32, #tpu.memory_space<vmem>>) target_semaphore(%run_scoped3A : memref<!tpu.dma_semaphore, #tpu.memory_space<semaphore_mem>>)
      %dma_wait3A_107 = arith.constant 0 : i32
      %dma_wait3A_108 = tpu.memref_slice %arg2[%mul3A_4, %dma_wait3A_107] : memref<128x128xi32, #tpu.memory_space<hbm>> -> memref<4x128xi32, #tpu.memory_space<hbm>>
      %dma_wait3A_109 = arith.constant 0 : i32
      %dma_wait3A_110 = tpu.memref_slice %arg2[%mul3A_4, %dma_wait3A_109] : memref<128x128xi32, #tpu.memory_space<hbm>> -> memref<4x128xi32, #tpu.memory_space<hbm>>
      tpu.wait_dma2 semaphore(%run_scoped3A : memref<!tpu.dma_semaphore, #tpu.memory_space<semaphore_mem>>) src(%dma_wait3A_110 : memref<4x128xi32, #tpu.memory_space<hbm>>) dst(%arg5 : memref<4x128xi32, #tpu.memory_space<vmem>>)
      tpu.yield
    }) : () -> ()
    %dma_start3A = arith.constant 0 : i32
    %dma_start3A_5 = arith.constant 0 : i32
    %dma_start3A_6 = arith.constant 0 : i32
    %dma_start3A_7 = tpu.memref_slice %arg6[%dma_start3A_5, %dma_start3A_6] : memref<256x128xf32, #tpu.memory_space<vmem>> -> memref<128x128xf32, #tpu.memory_space<vmem>>
    %dma_start3A_8 = arith.constant 0 : i32
    %dma_start3A_9 = tpu.memref_slice %arg5[%dma_start3A, %dma_start3A_8] : memref<4x128xi32, #tpu.memory_space<vmem>> -> memref<1x128xi32, #tpu.memory_space<vmem>>
    %dma_start3A_10 = tpu.memref_squeeze %dma_start3A_9 : memref<1x128xi32, #tpu.memory_space<vmem>> -> memref<128xi32, #tpu.memory_space<vmem>>
    %dma_start3A_11 = arith.constant 0 : i32
    %dma_start3A_12 = arith.constant 0 : i32
    %dma_start3A_13 = tpu.memref_slice %arg3[%dma_start3A_11, %dma_start3A_12] : memref<500000x128xf32, #tpu.memory_space<hbm>> -> memref<500000x128xf32, #tpu.memory_space<hbm>>
    tpu.enqueue_indirect_dma source(%dma_start3A_13 : memref<500000x128xf32, #tpu.memory_space<hbm>>) target(%dma_start3A_7 : memref<128x128xf32, #tpu.memory_space<vmem>>) offsets(%dma_start3A_10 : memref<128xi32, #tpu.memory_space<vmem>>) semaphore(%arg7 : memref<!tpu.dma_semaphore, #tpu.memory_space<semaphore_mem>>)
    %dma_start3A_14 = arith.constant 1 : i32
    %dma_start3A_15 = arith.constant 128 : i32
    %dma_start3A_16 = arith.constant 0 : i32
    %dma_start3A_17 = tpu.memref_slice %arg6[%dma_start3A_15, %dma_start3A_16] : memref<256x128xf32, #tpu.memory_space<vmem>> -> memref<128x128xf32, #tpu.memory_space<vmem>>
    %dma_start3A_18 = arith.constant 0 : i32
    %dma_start3A_19 = tpu.memref_slice %arg5[%dma_start3A_14, %dma_start3A_18] : memref<4x128xi32, #tpu.memory_space<vmem>> -> memref<1x128xi32, #tpu.memory_space<vmem>>
    %dma_start3A_20 = tpu.memref_squeeze %dma_start3A_19 : memref<1x128xi32, #tpu.memory_space<vmem>> -> memref<128xi32, #tpu.memory_space<vmem>>
    %dma_start3A_21 = arith.constant 0 : i32
    %dma_start3A_22 = arith.constant 0 : i32
    %dma_start3A_23 = tpu.memref_slice %arg3[%dma_start3A_21, %dma_start3A_22] : memref<500000x128xf32, #tpu.memory_space<hbm>> -> memref<500000x128xf32, #tpu.memory_space<hbm>>
    tpu.enqueue_indirect_dma source(%dma_start3A_23 : memref<500000x128xf32, #tpu.memory_space<hbm>>) target(%dma_start3A_17 : memref<128x128xf32, #tpu.memory_space<vmem>>) offsets(%dma_start3A_20 : memref<128xi32, #tpu.memory_space<vmem>>) semaphore(%arg7 : memref<!tpu.dma_semaphore, #tpu.memory_space<semaphore_mem>>)
    %dma_wait3A = arith.constant 0 : i32
    %dma_wait3A_24 = arith.constant 0 : i32
    %dma_wait3A_25 = arith.constant 0 : i32
    %dma_wait3A_26 = tpu.memref_slice %arg6[%dma_wait3A_24, %dma_wait3A_25] : memref<256x128xf32, #tpu.memory_space<vmem>> -> memref<128x128xf32, #tpu.memory_space<vmem>>
    %dma_wait3A_27 = arith.constant 0 : i32
    %dma_wait3A_28 = tpu.memref_slice %arg5[%dma_wait3A, %dma_wait3A_27] : memref<4x128xi32, #tpu.memory_space<vmem>> -> memref<1x128xi32, #tpu.memory_space<vmem>>
    %dma_wait3A_29 = tpu.memref_squeeze %dma_wait3A_28 : memref<1x128xi32, #tpu.memory_space<vmem>> -> memref<128xi32, #tpu.memory_space<vmem>>
    %dma_wait3A_30 = arith.constant 0 : i32
    %dma_wait3A_31 = arith.constant 0 : i32
    %dma_wait3A_32 = tpu.memref_slice %arg3[%dma_wait3A_30, %dma_wait3A_31] : memref<500000x128xf32, #tpu.memory_space<hbm>> -> memref<500000x128xf32, #tpu.memory_space<hbm>>
    tpu.wait_indirect_dma semaphore(%arg7 : memref<!tpu.dma_semaphore, #tpu.memory_space<semaphore_mem>>) src(%dma_wait3A_32 : memref<500000x128xf32, #tpu.memory_space<hbm>>) dst(%dma_wait3A_26 : memref<128x128xf32, #tpu.memory_space<vmem>>)
    %dma_wait3A_33 = arith.constant 1 : i32
    %dma_wait3A_34 = arith.constant 128 : i32
    %dma_wait3A_35 = arith.constant 0 : i32
    %dma_wait3A_36 = tpu.memref_slice %arg6[%dma_wait3A_34, %dma_wait3A_35] : memref<256x128xf32, #tpu.memory_space<vmem>> -> memref<128x128xf32, #tpu.memory_space<vmem>>
    %dma_wait3A_37 = arith.constant 0 : i32
    %dma_wait3A_38 = tpu.memref_slice %arg5[%dma_wait3A_33, %dma_wait3A_37] : memref<4x128xi32, #tpu.memory_space<vmem>> -> memref<1x128xi32, #tpu.memory_space<vmem>>
    %dma_wait3A_39 = tpu.memref_squeeze %dma_wait3A_38 : memref<1x128xi32, #tpu.memory_space<vmem>> -> memref<128xi32, #tpu.memory_space<vmem>>
    %dma_wait3A_40 = arith.constant 0 : i32
    %dma_wait3A_41 = arith.constant 0 : i32
    %dma_wait3A_42 = tpu.memref_slice %arg3[%dma_wait3A_40, %dma_wait3A_41] : memref<500000x128xf32, #tpu.memory_space<hbm>> -> memref<500000x128xf32, #tpu.memory_space<hbm>>
    tpu.wait_indirect_dma semaphore(%arg7 : memref<!tpu.dma_semaphore, #tpu.memory_space<semaphore_mem>>) src(%dma_wait3A_42 : memref<500000x128xf32, #tpu.memory_space<hbm>>) dst(%dma_wait3A_36 : memref<128x128xf32, #tpu.memory_space<vmem>>)
    %add3A_43 = arith.constant 0 : i32
    %add3A_44 = arith.addi %mul3A_2, %add3A_43 : i32
    %dma_start3A_45 = arith.constant 0 : i32
    %dma_start3A_46 = tpu.memref_slice %arg4[%add3A_44, %dma_start3A_45] : memref<16384x128xf32, #tpu.memory_space<hbm>> -> memref<256x128xf32, #tpu.memory_space<hbm>>
    %dma_start3A_47 = arith.constant 0 : i32
    %dma_start3A_48 = tpu.memref_slice %arg4[%add3A_44, %dma_start3A_47] : memref<16384x128xf32, #tpu.memory_space<hbm>> -> memref<256x128xf32, #tpu.memory_space<hbm>>
    tpu.enqueue_dma source(%arg6 : memref<256x128xf32, #tpu.memory_space<vmem>>) target(%dma_start3A_48 : memref<256x128xf32, #tpu.memory_space<hbm>>) target_semaphore(%arg8 : memref<!tpu.dma_semaphore, #tpu.memory_space<semaphore_mem>>)
    %dma_wait3A_49 = arith.constant 0 : i32
    %dma_wait3A_50 = tpu.memref_slice %arg4[%add3A_44, %dma_wait3A_49] : memref<16384x128xf32, #tpu.memory_space<hbm>> -> memref<256x128xf32, #tpu.memory_space<hbm>>
    %dma_wait3A_51 = arith.constant 0 : i32
    %dma_wait3A_52 = tpu.memref_slice %arg4[%add3A_44, %dma_wait3A_51] : memref<16384x128xf32, #tpu.memory_space<hbm>> -> memref<256x128xf32, #tpu.memory_space<hbm>>
    tpu.wait_dma2 semaphore(%arg8 : memref<!tpu.dma_semaphore, #tpu.memory_space<semaphore_mem>>) src(%arg6 : memref<256x128xf32, #tpu.memory_space<vmem>>) dst(%dma_wait3A_52 : memref<256x128xf32, #tpu.memory_space<hbm>>)
    %dma_start3A_53 = arith.constant 2 : i32
    %dma_start3A_54 = arith.constant 0 : i32
    %dma_start3A_55 = arith.constant 0 : i32
    %dma_start3A_56 = tpu.memref_slice %arg6[%dma_start3A_54, %dma_start3A_55] : memref<256x128xf32, #tpu.memory_space<vmem>> -> memref<128x128xf32, #tpu.memory_space<vmem>>
    %dma_start3A_57 = arith.constant 0 : i32
    %dma_start3A_58 = tpu.memref_slice %arg5[%dma_start3A_53, %dma_start3A_57] : memref<4x128xi32, #tpu.memory_space<vmem>> -> memref<1x128xi32, #tpu.memory_space<vmem>>
    %dma_start3A_59 = tpu.memref_squeeze %dma_start3A_58 : memref<1x128xi32, #tpu.memory_space<vmem>> -> memref<128xi32, #tpu.memory_space<vmem>>
    %dma_start3A_60 = arith.constant 0 : i32
    %dma_start3A_61 = arith.constant 0 : i32
    %dma_start3A_62 = tpu.memref_slice %arg3[%dma_start3A_60, %dma_start3A_61] : memref<500000x128xf32, #tpu.memory_space<hbm>> -> memref<500000x128xf32, #tpu.memory_space<hbm>>
    tpu.enqueue_indirect_dma source(%dma_start3A_62 : memref<500000x128xf32, #tpu.memory_space<hbm>>) target(%dma_start3A_56 : memref<128x128xf32, #tpu.memory_space<vmem>>) offsets(%dma_start3A_59 : memref<128xi32, #tpu.memory_space<vmem>>) semaphore(%arg7 : memref<!tpu.dma_semaphore, #tpu.memory_space<semaphore_mem>>)
    %dma_start3A_63 = arith.constant 3 : i32
    %dma_start3A_64 = arith.constant 128 : i32
    %dma_start3A_65 = arith.constant 0 : i32
    %dma_start3A_66 = tpu.memref_slice %arg6[%dma_start3A_64, %dma_start3A_65] : memref<256x128xf32, #tpu.memory_space<vmem>> -> memref<128x128xf32, #tpu.memory_space<vmem>>
    %dma_start3A_67 = arith.constant 0 : i32
    %dma_start3A_68 = tpu.memref_slice %arg5[%dma_start3A_63, %dma_start3A_67] : memref<4x128xi32, #tpu.memory_space<vmem>> -> memref<1x128xi32, #tpu.memory_space<vmem>>
    %dma_start3A_69 = tpu.memref_squeeze %dma_start3A_68 : memref<1x128xi32, #tpu.memory_space<vmem>> -> memref<128xi32, #tpu.memory_space<vmem>>
    %dma_start3A_70 = arith.constant 0 : i32
    %dma_start3A_71 = arith.constant 0 : i32
    %dma_start3A_72 = tpu.memref_slice %arg3[%dma_start3A_70, %dma_start3A_71] : memref<500000x128xf32, #tpu.memory_space<hbm>> -> memref<500000x128xf32, #tpu.memory_space<hbm>>
    tpu.enqueue_indirect_dma source(%dma_start3A_72 : memref<500000x128xf32, #tpu.memory_space<hbm>>) target(%dma_start3A_66 : memref<128x128xf32, #tpu.memory_space<vmem>>) offsets(%dma_start3A_69 : memref<128xi32, #tpu.memory_space<vmem>>) semaphore(%arg7 : memref<!tpu.dma_semaphore, #tpu.memory_space<semaphore_mem>>)
    %dma_wait3A_73 = arith.constant 2 : i32
    %dma_wait3A_74 = arith.constant 0 : i32
    %dma_wait3A_75 = arith.constant 0 : i32
    %dma_wait3A_76 = tpu.memref_slice %arg6[%dma_wait3A_74, %dma_wait3A_75] : memref<256x128xf32, #tpu.memory_space<vmem>> -> memref<128x128xf32, #tpu.memory_space<vmem>>
    %dma_wait3A_77 = arith.constant 0 : i32
    %dma_wait3A_78 = tpu.memref_slice %arg5[%dma_wait3A_73, %dma_wait3A_77] : memref<4x128xi32, #tpu.memory_space<vmem>> -> memref<1x128xi32, #tpu.memory_space<vmem>>
    %dma_wait3A_79 = tpu.memref_squeeze %dma_wait3A_78 : memref<1x128xi32, #tpu.memory_space<vmem>> -> memref<128xi32, #tpu.memory_space<vmem>>
    %dma_wait3A_80 = arith.constant 0 : i32
    %dma_wait3A_81 = arith.constant 0 : i32
    %dma_wait3A_82 = tpu.memref_slice %arg3[%dma_wait3A_80, %dma_wait3A_81] : memref<500000x128xf32, #tpu.memory_space<hbm>> -> memref<500000x128xf32, #tpu.memory_space<hbm>>
    tpu.wait_indirect_dma semaphore(%arg7 : memref<!tpu.dma_semaphore, #tpu.memory_space<semaphore_mem>>) src(%dma_wait3A_82 : memref<500000x128xf32, #tpu.memory_space<hbm>>) dst(%dma_wait3A_76 : memref<128x128xf32, #tpu.memory_space<vmem>>)
    %dma_wait3A_83 = arith.constant 3 : i32
    %dma_wait3A_84 = arith.constant 128 : i32
    %dma_wait3A_85 = arith.constant 0 : i32
    %dma_wait3A_86 = tpu.memref_slice %arg6[%dma_wait3A_84, %dma_wait3A_85] : memref<256x128xf32, #tpu.memory_space<vmem>> -> memref<128x128xf32, #tpu.memory_space<vmem>>
    %dma_wait3A_87 = arith.constant 0 : i32
    %dma_wait3A_88 = tpu.memref_slice %arg5[%dma_wait3A_83, %dma_wait3A_87] : memref<4x128xi32, #tpu.memory_space<vmem>> -> memref<1x128xi32, #tpu.memory_space<vmem>>
    %dma_wait3A_89 = tpu.memref_squeeze %dma_wait3A_88 : memref<1x128xi32, #tpu.memory_space<vmem>> -> memref<128xi32, #tpu.memory_space<vmem>>
    %dma_wait3A_90 = arith.constant 0 : i32
    %dma_wait3A_91 = arith.constant 0 : i32
    %dma_wait3A_92 = tpu.memref_slice %arg3[%dma_wait3A_90, %dma_wait3A_91] : memref<500000x128xf32, #tpu.memory_space<hbm>> -> memref<500000x128xf32, #tpu.memory_space<hbm>>
    tpu.wait_indirect_dma semaphore(%arg7 : memref<!tpu.dma_semaphore, #tpu.memory_space<semaphore_mem>>) src(%dma_wait3A_92 : memref<500000x128xf32, #tpu.memory_space<hbm>>) dst(%dma_wait3A_86 : memref<128x128xf32, #tpu.memory_space<vmem>>)
    %add3A_93 = arith.constant 256 : i32
    %add3A_94 = arith.addi %mul3A_2, %add3A_93 : i32
    %dma_start3A_95 = arith.constant 0 : i32
    %dma_start3A_96 = tpu.memref_slice %arg4[%add3A_94, %dma_start3A_95] : memref<16384x128xf32, #tpu.memory_space<hbm>> -> memref<256x128xf32, #tpu.memory_space<hbm>>
    %dma_start3A_97 = arith.constant 0 : i32
    %dma_start3A_98 = tpu.memref_slice %arg4[%add3A_94, %dma_start3A_97] : memref<16384x128xf32, #tpu.memory_space<hbm>> -> memref<256x128xf32, #tpu.memory_space<hbm>>
    tpu.enqueue_dma source(%arg6 : memref<256x128xf32, #tpu.memory_space<vmem>>) target(%dma_start3A_98 : memref<256x128xf32, #tpu.memory_space<hbm>>) target_semaphore(%arg8 : memref<!tpu.dma_semaphore, #tpu.memory_space<semaphore_mem>>)
    %dma_wait3A_99 = arith.constant 0 : i32
    %dma_wait3A_100 = tpu.memref_slice %arg4[%add3A_94, %dma_wait3A_99] : memref<16384x128xf32, #tpu.memory_space<hbm>> -> memref<256x128xf32, #tpu.memory_space<hbm>>
    %dma_wait3A_101 = arith.constant 0 : i32
    %dma_wait3A_102 = tpu.memref_slice %arg4[%add3A_94, %dma_wait3A_101] : memref<16384x128xf32, #tpu.memory_space<hbm>> -> memref<256x128xf32, #tpu.memory_space<hbm>>
    tpu.wait_dma2 semaphore(%arg8 : memref<!tpu.dma_semaphore, #tpu.memory_space<semaphore_mem>>) src(%arg6 : memref<256x128xf32, #tpu.memory_space<vmem>>) dst(%dma_wait3A_102 : memref<256x128xf32, #tpu.memory_space<hbm>>)
    return
  }
}

#map = affine_map<(d0, d1) -> (0, 0)>
module attributes {stable_mosaic.version = 14 : i64} {
  func.func @_body(%arg0: i32, %arg1: i32, %arg2: memref<128x128xi32, #tpu.memory_space<hbm>>, %arg3: memref<50000x128xf32, #tpu.memory_space<hbm>>, %arg4: memref<16384x128xf32, #tpu.memory_space<hbm>>, %arg5: memref<4x128xi32, #tpu.memory_space<vmem>>, %arg6: memref<256x128xf32, #tpu.memory_space<vmem>>, %arg7: memref<!tpu.dma_semaphore, #tpu.memory_space<semaphore_mem>>, %arg8: memref<!tpu.dma_semaphore, #tpu.memory_space<semaphore_mem>>) attributes {dimension_semantics = [#tpu.dimension_semantics<core_parallel>, #tpu.dimension_semantics<subcore_parallel>], iteration_bounds = array<i64: 2, 16>, scalar_prefetch = 0 : i64, scratch_operands = 4 : i64, tpu.core_type = #tpu.core_type<sc_vector_subcore>, window_params = [{transform_indices = #map}, {transform_indices = #map}, {transform_indices = #map}]} {
    %mul3A = arith.constant 2 : i32
    %mul3A_0 = arith.muli %arg1, %mul3A : i32
    %add3A = arith.addi %mul3A_0, %arg0 : i32
    %mul3A_1 = arith.constant 512 : i32
    %mul3A_2 = arith.muli %add3A, %mul3A_1 : i32
    %mul3A_3 = arith.constant 4 : i32
    %mul3A_4 = arith.muli %add3A, %mul3A_3 : i32
    "tpu.region"() ({
      %run_scoped3A = tpu.sem_alloc : memref<!tpu.dma_semaphore, #tpu.memory_space<semaphore_mem>>
      %dma_start3A_103 = arith.constant 0 : i32
      %dma_start3A_104 = tpu.memref_slice %arg2[%mul3A_4, %dma_start3A_103] : memref<128x128xi32, #tpu.memory_space<hbm>> -> memref<4x128xi32, #tpu.memory_space<hbm>>
      %dma_start3A_105 = arith.constant 0 : i32
      %dma_start3A_106 = tpu.memref_slice %arg2[%mul3A_4, %dma_start3A_105] : memref<128x128xi32, #tpu.memory_space<hbm>> -> memref<4x128xi32, #tpu.memory_space<hbm>>
      tpu.enqueue_dma source(%dma_start3A_106 : memref<4x128xi32, #tpu.memory_space<hbm>>) target(%arg5 : memref<4x128xi32, #tpu.memory_space<vmem>>) target_semaphore(%run_scoped3A : memref<!tpu.dma_semaphore, #tpu.memory_space<semaphore_mem>>)
      %dma_wait3A_107 = arith.constant 0 : i32
      %dma_wait3A_108 = tpu.memref_slice %arg2[%mul3A_4, %dma_wait3A_107] : memref<128x128xi32, #tpu.memory_space<hbm>> -> memref<4x128xi32, #tpu.memory_space<hbm>>
      %dma_wait3A_109 = arith.constant 0 : i32
      %dma_wait3A_110 = tpu.memref_slice %arg2[%mul3A_4, %dma_wait3A_109] : memref<128x128xi32, #tpu.memory_space<hbm>> -> memref<4x128xi32, #tpu.memory_space<hbm>>
      tpu.wait_dma2 semaphore(%run_scoped3A : memref<!tpu.dma_semaphore, #tpu.memory_space<semaphore_mem>>) src(%dma_wait3A_110 : memref<4x128xi32, #tpu.memory_space<hbm>>) dst(%arg5 : memref<4x128xi32, #tpu.memory_space<vmem>>)
      tpu.yield
    }) : () -> ()
    %dma_start3A = arith.constant 0 : i32
    %dma_start3A_5 = arith.constant 0 : i32
    %dma_start3A_6 = arith.constant 0 : i32
    %dma_start3A_7 = tpu.memref_slice %arg6[%dma_start3A_5, %dma_start3A_6] : memref<256x128xf32, #tpu.memory_space<vmem>> -> memref<128x128xf32, #tpu.memory_space<vmem>>
    %dma_start3A_8 = arith.constant 0 : i32
    %dma_start3A_9 = tpu.memref_slice %arg5[%dma_start3A, %dma_start3A_8] : memref<4x128xi32, #tpu.memory_space<vmem>> -> memref<1x128xi32, #tpu.memory_space<vmem>>
    %dma_start3A_10 = tpu.memref_squeeze %dma_start3A_9 : memref<1x128xi32, #tpu.memory_space<vmem>> -> memref<128xi32, #tpu.memory_space<vmem>>
    %dma_start3A_11 = arith.constant 0 : i32
    %dma_start3A_12 = arith.constant 0 : i32
    %dma_start3A_13 = tpu.memref_slice %arg3[%dma_start3A_11, %dma_start3A_12] : memref<50000x128xf32, #tpu.memory_space<hbm>> -> memref<50000x128xf32, #tpu.memory_space<hbm>>
    tpu.enqueue_indirect_dma source(%dma_start3A_13 : memref<50000x128xf32, #tpu.memory_space<hbm>>) target(%dma_start3A_7 : memref<128x128xf32, #tpu.memory_space<vmem>>) offsets(%dma_start3A_10 : memref<128xi32, #tpu.memory_space<vmem>>) semaphore(%arg7 : memref<!tpu.dma_semaphore, #tpu.memory_space<semaphore_mem>>)
    %dma_start3A_14 = arith.constant 1 : i32
    %dma_start3A_15 = arith.constant 128 : i32
    %dma_start3A_16 = arith.constant 0 : i32
    %dma_start3A_17 = tpu.memref_slice %arg6[%dma_start3A_15, %dma_start3A_16] : memref<256x128xf32, #tpu.memory_space<vmem>> -> memref<128x128xf32, #tpu.memory_space<vmem>>
    %dma_start3A_18 = arith.constant 0 : i32
    %dma_start3A_19 = tpu.memref_slice %arg5[%dma_start3A_14, %dma_start3A_18] : memref<4x128xi32, #tpu.memory_space<vmem>> -> memref<1x128xi32, #tpu.memory_space<vmem>>
    %dma_start3A_20 = tpu.memref_squeeze %dma_start3A_19 : memref<1x128xi32, #tpu.memory_space<vmem>> -> memref<128xi32, #tpu.memory_space<vmem>>
    %dma_start3A_21 = arith.constant 0 : i32
    %dma_start3A_22 = arith.constant 0 : i32
    %dma_start3A_23 = tpu.memref_slice %arg3[%dma_start3A_21, %dma_start3A_22] : memref<50000x128xf32, #tpu.memory_space<hbm>> -> memref<50000x128xf32, #tpu.memory_space<hbm>>
    tpu.enqueue_indirect_dma source(%dma_start3A_23 : memref<50000x128xf32, #tpu.memory_space<hbm>>) target(%dma_start3A_17 : memref<128x128xf32, #tpu.memory_space<vmem>>) offsets(%dma_start3A_20 : memref<128xi32, #tpu.memory_space<vmem>>) semaphore(%arg7 : memref<!tpu.dma_semaphore, #tpu.memory_space<semaphore_mem>>)
    %dma_wait3A = arith.constant 0 : i32
    %dma_wait3A_24 = arith.constant 0 : i32
    %dma_wait3A_25 = arith.constant 0 : i32
    %dma_wait3A_26 = tpu.memref_slice %arg6[%dma_wait3A_24, %dma_wait3A_25] : memref<256x128xf32, #tpu.memory_space<vmem>> -> memref<128x128xf32, #tpu.memory_space<vmem>>
    %dma_wait3A_27 = arith.constant 0 : i32
    %dma_wait3A_28 = tpu.memref_slice %arg5[%dma_wait3A, %dma_wait3A_27] : memref<4x128xi32, #tpu.memory_space<vmem>> -> memref<1x128xi32, #tpu.memory_space<vmem>>
    %dma_wait3A_29 = tpu.memref_squeeze %dma_wait3A_28 : memref<1x128xi32, #tpu.memory_space<vmem>> -> memref<128xi32, #tpu.memory_space<vmem>>
    %dma_wait3A_30 = arith.constant 0 : i32
    %dma_wait3A_31 = arith.constant 0 : i32
    %dma_wait3A_32 = tpu.memref_slice %arg3[%dma_wait3A_30, %dma_wait3A_31] : memref<50000x128xf32, #tpu.memory_space<hbm>> -> memref<50000x128xf32, #tpu.memory_space<hbm>>
    tpu.wait_indirect_dma semaphore(%arg7 : memref<!tpu.dma_semaphore, #tpu.memory_space<semaphore_mem>>) src(%dma_wait3A_32 : memref<50000x128xf32, #tpu.memory_space<hbm>>) dst(%dma_wait3A_26 : memref<128x128xf32, #tpu.memory_space<vmem>>)
    %dma_wait3A_33 = arith.constant 1 : i32
    %dma_wait3A_34 = arith.constant 128 : i32
    %dma_wait3A_35 = arith.constant 0 : i32
    %dma_wait3A_36 = tpu.memref_slice %arg6[%dma_wait3A_34, %dma_wait3A_35] : memref<256x128xf32, #tpu.memory_space<vmem>> -> memref<128x128xf32, #tpu.memory_space<vmem>>
    %dma_wait3A_37 = arith.constant 0 : i32
    %dma_wait3A_38 = tpu.memref_slice %arg5[%dma_wait3A_33, %dma_wait3A_37] : memref<4x128xi32, #tpu.memory_space<vmem>> -> memref<1x128xi32, #tpu.memory_space<vmem>>
    %dma_wait3A_39 = tpu.memref_squeeze %dma_wait3A_38 : memref<1x128xi32, #tpu.memory_space<vmem>> -> memref<128xi32, #tpu.memory_space<vmem>>
    %dma_wait3A_40 = arith.constant 0 : i32
    %dma_wait3A_41 = arith.constant 0 : i32
    %dma_wait3A_42 = tpu.memref_slice %arg3[%dma_wait3A_40, %dma_wait3A_41] : memref<50000x128xf32, #tpu.memory_space<hbm>> -> memref<50000x128xf32, #tpu.memory_space<hbm>>
    tpu.wait_indirect_dma semaphore(%arg7 : memref<!tpu.dma_semaphore, #tpu.memory_space<semaphore_mem>>) src(%dma_wait3A_42 : memref<50000x128xf32, #tpu.memory_space<hbm>>) dst(%dma_wait3A_36 : memref<128x128xf32, #tpu.memory_space<vmem>>)
    %add3A_43 = arith.constant 0 : i32
    %add3A_44 = arith.addi %mul3A_2, %add3A_43 : i32
    %dma_start3A_45 = arith.constant 0 : i32
    %dma_start3A_46 = tpu.memref_slice %arg4[%add3A_44, %dma_start3A_45] : memref<16384x128xf32, #tpu.memory_space<hbm>> -> memref<256x128xf32, #tpu.memory_space<hbm>>
    %dma_start3A_47 = arith.constant 0 : i32
    %dma_start3A_48 = tpu.memref_slice %arg4[%add3A_44, %dma_start3A_47] : memref<16384x128xf32, #tpu.memory_space<hbm>> -> memref<256x128xf32, #tpu.memory_space<hbm>>
    tpu.enqueue_dma source(%arg6 : memref<256x128xf32, #tpu.memory_space<vmem>>) target(%dma_start3A_48 : memref<256x128xf32, #tpu.memory_space<hbm>>) target_semaphore(%arg8 : memref<!tpu.dma_semaphore, #tpu.memory_space<semaphore_mem>>)
    %dma_wait3A_49 = arith.constant 0 : i32
    %dma_wait3A_50 = tpu.memref_slice %arg4[%add3A_44, %dma_wait3A_49] : memref<16384x128xf32, #tpu.memory_space<hbm>> -> memref<256x128xf32, #tpu.memory_space<hbm>>
    %dma_wait3A_51 = arith.constant 0 : i32
    %dma_wait3A_52 = tpu.memref_slice %arg4[%add3A_44, %dma_wait3A_51] : memref<16384x128xf32, #tpu.memory_space<hbm>> -> memref<256x128xf32, #tpu.memory_space<hbm>>
    tpu.wait_dma2 semaphore(%arg8 : memref<!tpu.dma_semaphore, #tpu.memory_space<semaphore_mem>>) src(%arg6 : memref<256x128xf32, #tpu.memory_space<vmem>>) dst(%dma_wait3A_52 : memref<256x128xf32, #tpu.memory_space<hbm>>)
    %dma_start3A_53 = arith.constant 2 : i32
    %dma_start3A_54 = arith.constant 0 : i32
    %dma_start3A_55 = arith.constant 0 : i32
    %dma_start3A_56 = tpu.memref_slice %arg6[%dma_start3A_54, %dma_start3A_55] : memref<256x128xf32, #tpu.memory_space<vmem>> -> memref<128x128xf32, #tpu.memory_space<vmem>>
    %dma_start3A_57 = arith.constant 0 : i32
    %dma_start3A_58 = tpu.memref_slice %arg5[%dma_start3A_53, %dma_start3A_57] : memref<4x128xi32, #tpu.memory_space<vmem>> -> memref<1x128xi32, #tpu.memory_space<vmem>>
    %dma_start3A_59 = tpu.memref_squeeze %dma_start3A_58 : memref<1x128xi32, #tpu.memory_space<vmem>> -> memref<128xi32, #tpu.memory_space<vmem>>
    %dma_start3A_60 = arith.constant 0 : i32
    %dma_start3A_61 = arith.constant 0 : i32
    %dma_start3A_62 = tpu.memref_slice %arg3[%dma_start3A_60, %dma_start3A_61] : memref<50000x128xf32, #tpu.memory_space<hbm>> -> memref<50000x128xf32, #tpu.memory_space<hbm>>
    tpu.enqueue_indirect_dma source(%dma_start3A_62 : memref<50000x128xf32, #tpu.memory_space<hbm>>) target(%dma_start3A_56 : memref<128x128xf32, #tpu.memory_space<vmem>>) offsets(%dma_start3A_59 : memref<128xi32, #tpu.memory_space<vmem>>) semaphore(%arg7 : memref<!tpu.dma_semaphore, #tpu.memory_space<semaphore_mem>>)
    %dma_start3A_63 = arith.constant 3 : i32
    %dma_start3A_64 = arith.constant 128 : i32
    %dma_start3A_65 = arith.constant 0 : i32
    %dma_start3A_66 = tpu.memref_slice %arg6[%dma_start3A_64, %dma_start3A_65] : memref<256x128xf32, #tpu.memory_space<vmem>> -> memref<128x128xf32, #tpu.memory_space<vmem>>
    %dma_start3A_67 = arith.constant 0 : i32
    %dma_start3A_68 = tpu.memref_slice %arg5[%dma_start3A_63, %dma_start3A_67] : memref<4x128xi32, #tpu.memory_space<vmem>> -> memref<1x128xi32, #tpu.memory_space<vmem>>
    %dma_start3A_69 = tpu.memref_squeeze %dma_start3A_68 : memref<1x128xi32, #tpu.memory_space<vmem>> -> memref<128xi32, #tpu.memory_space<vmem>>
    %dma_start3A_70 = arith.constant 0 : i32
    %dma_start3A_71 = arith.constant 0 : i32
    %dma_start3A_72 = tpu.memref_slice %arg3[%dma_start3A_70, %dma_start3A_71] : memref<50000x128xf32, #tpu.memory_space<hbm>> -> memref<50000x128xf32, #tpu.memory_space<hbm>>
    tpu.enqueue_indirect_dma source(%dma_start3A_72 : memref<50000x128xf32, #tpu.memory_space<hbm>>) target(%dma_start3A_66 : memref<128x128xf32, #tpu.memory_space<vmem>>) offsets(%dma_start3A_69 : memref<128xi32, #tpu.memory_space<vmem>>) semaphore(%arg7 : memref<!tpu.dma_semaphore, #tpu.memory_space<semaphore_mem>>)
    %dma_wait3A_73 = arith.constant 2 : i32
    %dma_wait3A_74 = arith.constant 0 : i32
    %dma_wait3A_75 = arith.constant 0 : i32
    %dma_wait3A_76 = tpu.memref_slice %arg6[%dma_wait3A_74, %dma_wait3A_75] : memref<256x128xf32, #tpu.memory_space<vmem>> -> memref<128x128xf32, #tpu.memory_space<vmem>>
    %dma_wait3A_77 = arith.constant 0 : i32
    %dma_wait3A_78 = tpu.memref_slice %arg5[%dma_wait3A_73, %dma_wait3A_77] : memref<4x128xi32, #tpu.memory_space<vmem>> -> memref<1x128xi32, #tpu.memory_space<vmem>>
    %dma_wait3A_79 = tpu.memref_squeeze %dma_wait3A_78 : memref<1x128xi32, #tpu.memory_space<vmem>> -> memref<128xi32, #tpu.memory_space<vmem>>
    %dma_wait3A_80 = arith.constant 0 : i32
    %dma_wait3A_81 = arith.constant 0 : i32
    %dma_wait3A_82 = tpu.memref_slice %arg3[%dma_wait3A_80, %dma_wait3A_81] : memref<50000x128xf32, #tpu.memory_space<hbm>> -> memref<50000x128xf32, #tpu.memory_space<hbm>>
    tpu.wait_indirect_dma semaphore(%arg7 : memref<!tpu.dma_semaphore, #tpu.memory_space<semaphore_mem>>) src(%dma_wait3A_82 : memref<50000x128xf32, #tpu.memory_space<hbm>>) dst(%dma_wait3A_76 : memref<128x128xf32, #tpu.memory_space<vmem>>)
    %dma_wait3A_83 = arith.constant 3 : i32
    %dma_wait3A_84 = arith.constant 128 : i32
    %dma_wait3A_85 = arith.constant 0 : i32
    %dma_wait3A_86 = tpu.memref_slice %arg6[%dma_wait3A_84, %dma_wait3A_85] : memref<256x128xf32, #tpu.memory_space<vmem>> -> memref<128x128xf32, #tpu.memory_space<vmem>>
    %dma_wait3A_87 = arith.constant 0 : i32
    %dma_wait3A_88 = tpu.memref_slice %arg5[%dma_wait3A_83, %dma_wait3A_87] : memref<4x128xi32, #tpu.memory_space<vmem>> -> memref<1x128xi32, #tpu.memory_space<vmem>>
    %dma_wait3A_89 = tpu.memref_squeeze %dma_wait3A_88 : memref<1x128xi32, #tpu.memory_space<vmem>> -> memref<128xi32, #tpu.memory_space<vmem>>
    %dma_wait3A_90 = arith.constant 0 : i32
    %dma_wait3A_91 = arith.constant 0 : i32
    %dma_wait3A_92 = tpu.memref_slice %arg3[%dma_wait3A_90, %dma_wait3A_91] : memref<50000x128xf32, #tpu.memory_space<hbm>> -> memref<50000x128xf32, #tpu.memory_space<hbm>>
    tpu.wait_indirect_dma semaphore(%arg7 : memref<!tpu.dma_semaphore, #tpu.memory_space<semaphore_mem>>) src(%dma_wait3A_92 : memref<50000x128xf32, #tpu.memory_space<hbm>>) dst(%dma_wait3A_86 : memref<128x128xf32, #tpu.memory_space<vmem>>)
    %add3A_93 = arith.constant 256 : i32
    %add3A_94 = arith.addi %mul3A_2, %add3A_93 : i32
    %dma_start3A_95 = arith.constant 0 : i32
    %dma_start3A_96 = tpu.memref_slice %arg4[%add3A_94, %dma_start3A_95] : memref<16384x128xf32, #tpu.memory_space<hbm>> -> memref<256x128xf32, #tpu.memory_space<hbm>>
    %dma_start3A_97 = arith.constant 0 : i32
    %dma_start3A_98 = tpu.memref_slice %arg4[%add3A_94, %dma_start3A_97] : memref<16384x128xf32, #tpu.memory_space<hbm>> -> memref<256x128xf32, #tpu.memory_space<hbm>>
    tpu.enqueue_dma source(%arg6 : memref<256x128xf32, #tpu.memory_space<vmem>>) target(%dma_start3A_98 : memref<256x128xf32, #tpu.memory_space<hbm>>) target_semaphore(%arg8 : memref<!tpu.dma_semaphore, #tpu.memory_space<semaphore_mem>>)
    %dma_wait3A_99 = arith.constant 0 : i32
    %dma_wait3A_100 = tpu.memref_slice %arg4[%add3A_94, %dma_wait3A_99] : memref<16384x128xf32, #tpu.memory_space<hbm>> -> memref<256x128xf32, #tpu.memory_space<hbm>>
    %dma_wait3A_101 = arith.constant 0 : i32
    %dma_wait3A_102 = tpu.memref_slice %arg4[%add3A_94, %dma_wait3A_101] : memref<16384x128xf32, #tpu.memory_space<hbm>> -> memref<256x128xf32, #tpu.memory_space<hbm>>
    tpu.wait_dma2 semaphore(%arg8 : memref<!tpu.dma_semaphore, #tpu.memory_space<semaphore_mem>>) src(%arg6 : memref<256x128xf32, #tpu.memory_space<vmem>>) dst(%dma_wait3A_102 : memref<256x128xf32, #tpu.memory_space<hbm>>)
    return
  }
}

module attributes {stable_mosaic.version = 14 : i64} {
  func.func @_repack_body(%arg0: i32, %arg1: memref<1000000x64xf32, #tpu.memory_space<any>>, %arg2: memref<5000x128xf32, #tpu.memory_space<vmem>>, %arg3: memref<3x10000x64xf32, #tpu.memory_space<vmem>>, %arg4: memref<3x!tpu.dma_semaphore, #tpu.memory_space<semaphore_mem>>) attributes {dimension_semantics = [#tpu.dimension_semantics<arbitrary>], iteration_bounds = array<i64: 100>, scalar_prefetch = 0 : i64, scratch_operands = 2 : i64, tpu.core_type = #tpu.core_type<tc>, window_params = [{}, {transform_indices = @transform_1, window_bounds = array<i64: 5000, 128>}]} {
    %eq3A = arith.constant 0 : i32
    %eq3A_0 = arith.cmpi eq, %arg0, %eq3A : i32
    %convert_element_type3A = arith.extui %eq3A_0 : i1 to i32
    %cond3A = arith.constant 0 : i32
    %cond3A_1 = arith.cmpi ne, %convert_element_type3A, %cond3A : i32
    scf.if %cond3A_1 {
      %dma_start3A = arith.constant 0 : i32
      %dma_start3A_69 = arith.constant 0 : i32
      %dma_start3A_70 = tpu.memref_slice %arg4[%dma_start3A_69] : memref<3x!tpu.dma_semaphore, #tpu.memory_space<semaphore_mem>> -> memref<1x!tpu.dma_semaphore, #tpu.memory_space<semaphore_mem>>
      %dma_start3A_71 = tpu.memref_squeeze %dma_start3A_70 : memref<1x!tpu.dma_semaphore, #tpu.memory_space<semaphore_mem>> -> memref<!tpu.dma_semaphore, #tpu.memory_space<semaphore_mem>>
      %dma_start3A_72 = arith.constant 0 : i32
      %dma_start3A_73 = arith.constant 0 : i32
      %dma_start3A_74 = tpu.memref_slice %arg3[%dma_start3A, %dma_start3A_72, %dma_start3A_73] : memref<3x10000x64xf32, #tpu.memory_space<vmem>> -> memref<1x10000x64xf32, #tpu.memory_space<vmem>>
      %dma_start3A_75 = tpu.memref_squeeze %dma_start3A_74 : memref<1x10000x64xf32, #tpu.memory_space<vmem>> -> memref<10000x64xf32, #tpu.memory_space<vmem>>
      %dma_start3A_76 = arith.constant 0 : i32
      %dma_start3A_77 = arith.constant 0 : i32
      %dma_start3A_78 = tpu.memref_slice %arg1[%dma_start3A_76, %dma_start3A_77] : memref<1000000x64xf32, #tpu.memory_space<any>> -> memref<10000x64xf32, #tpu.memory_space<any>>
      tpu.enqueue_dma source(%dma_start3A_78 : memref<10000x64xf32, #tpu.memory_space<any>>) target(%dma_start3A_75 : memref<10000x64xf32, #tpu.memory_space<vmem>>) target_semaphore(%dma_start3A_71 : memref<!tpu.dma_semaphore, #tpu.memory_space<semaphore_mem>>)
      %dma_start3A_79 = arith.constant 1 : i32
      %dma_start3A_80 = arith.constant 1 : i32
      %dma_start3A_81 = tpu.memref_slice %arg4[%dma_start3A_80] : memref<3x!tpu.dma_semaphore, #tpu.memory_space<semaphore_mem>> -> memref<1x!tpu.dma_semaphore, #tpu.memory_space<semaphore_mem>>
      %dma_start3A_82 = tpu.memref_squeeze %dma_start3A_81 : memref<1x!tpu.dma_semaphore, #tpu.memory_space<semaphore_mem>> -> memref<!tpu.dma_semaphore, #tpu.memory_space<semaphore_mem>>
      %dma_start3A_83 = arith.constant 0 : i32
      %dma_start3A_84 = arith.constant 0 : i32
      %dma_start3A_85 = tpu.memref_slice %arg3[%dma_start3A_79, %dma_start3A_83, %dma_start3A_84] : memref<3x10000x64xf32, #tpu.memory_space<vmem>> -> memref<1x10000x64xf32, #tpu.memory_space<vmem>>
      %dma_start3A_86 = tpu.memref_squeeze %dma_start3A_85 : memref<1x10000x64xf32, #tpu.memory_space<vmem>> -> memref<10000x64xf32, #tpu.memory_space<vmem>>
      %dma_start3A_87 = arith.constant 10000 : i32
      %dma_start3A_88 = arith.constant 0 : i32
      %dma_start3A_89 = tpu.memref_slice %arg1[%dma_start3A_87, %dma_start3A_88] : memref<1000000x64xf32, #tpu.memory_space<any>> -> memref<10000x64xf32, #tpu.memory_space<any>>
      tpu.enqueue_dma source(%dma_start3A_89 : memref<10000x64xf32, #tpu.memory_space<any>>) target(%dma_start3A_86 : memref<10000x64xf32, #tpu.memory_space<vmem>>) target_semaphore(%dma_start3A_82 : memref<!tpu.dma_semaphore, #tpu.memory_space<semaphore_mem>>)
    } else {
    }
    %add3A = arith.constant 3 : i32
    %add3A_2 = arith.addi %arg0, %add3A : i32
    %sub3A = arith.constant 1 : i32
    %sub3A_3 = arith.subi %add3A_2, %sub3A : i32
    %lt3A = arith.constant 100 : i32
    %lt3A_4 = arith.cmpi slt, %sub3A_3, %lt3A : i32
    %convert_element_type3A_5 = arith.extui %lt3A_4 : i1 to i32
    %cond3A_6 = arith.constant 0 : i32
    %cond3A_7 = arith.cmpi ne, %convert_element_type3A_5, %cond3A_6 : i32
    scf.if %cond3A_7 {
      %add3A_69 = arith.constant 3 : i32
      %add3A_70 = arith.addi %arg0, %add3A_69 : i32
      %sub3A_71 = arith.constant 1 : i32
      %sub3A_72 = arith.subi %add3A_70, %sub3A_71 : i32
      %mul3A_73 = arith.constant 2 : i32
      %mul3A_74 = arith.muli %sub3A_72, %mul3A_73 : i32
      %mul3A_75 = arith.constant 5000 : i32
      %mul3A_76 = arith.muli %mul3A_74, %mul3A_75 : i32
      %jit3A_77 = arith.constant 3 : i32
      %eq3A_78 = arith.constant 0 : i32
      %eq3A_79 = arith.cmpi eq, %jit3A_77, %eq3A_78 : i32
      %jit3A_80 = arith.constant 1 : i32
      %select_n3A_81 = arith.select %eq3A_79, %jit3A_80, %jit3A_77 : i32
      %rem3A_82 = arith.remsi %sub3A_72, %select_n3A_81 : i32
      %ne3A_83 = arith.constant 0 : i32
      %ne3A_84 = arith.cmpi ne, %rem3A_82, %ne3A_83 : i32
      %lt3A_85 = arith.constant 0 : i32
      %lt3A_86 = arith.cmpi slt, %rem3A_82, %lt3A_85 : i32
      %lt3A_87 = arith.constant 0 : i32
      %lt3A_88 = arith.cmpi slt, %select_n3A_81, %lt3A_87 : i32
      %ne3A_89 = arith.xori %lt3A_86, %lt3A_88 : i1
      %and3A_90 = arith.andi %ne3A_89, %ne3A_84 : i1
      %add3A_91 = arith.addi %rem3A_82, %select_n3A_81 : i32
      %select_n3A_92 = arith.select %and3A_90, %add3A_91, %rem3A_82 : i32
      %jit3A_93 = arith.constant 3 : i32
      %eq3A_94 = arith.constant 0 : i32
      %eq3A_95 = arith.cmpi eq, %jit3A_93, %eq3A_94 : i32
      %jit3A_96 = arith.constant 1 : i32
      %select_n3A_97 = arith.select %eq3A_95, %jit3A_96, %jit3A_93 : i32
      %rem3A_98 = arith.remsi %sub3A_72, %select_n3A_97 : i32
      %ne3A_99 = arith.constant 0 : i32
      %ne3A_100 = arith.cmpi ne, %rem3A_98, %ne3A_99 : i32
      %lt3A_101 = arith.constant 0 : i32
      %lt3A_102 = arith.cmpi slt, %rem3A_98, %lt3A_101 : i32
      %lt3A_103 = arith.constant 0 : i32
      %lt3A_104 = arith.cmpi slt, %select_n3A_97, %lt3A_103 : i32
      %ne3A_105 = arith.xori %lt3A_102, %lt3A_104 : i1
      %and3A_106 = arith.andi %ne3A_105, %ne3A_100 : i1
      %add3A_107 = arith.addi %rem3A_98, %select_n3A_97 : i32
      %select_n3A_108 = arith.select %and3A_106, %add3A_107, %rem3A_98 : i32
      %dma_start3A = tpu.memref_slice %arg4[%select_n3A_108] : memref<3x!tpu.dma_semaphore, #tpu.memory_space<semaphore_mem>> -> memref<1x!tpu.dma_semaphore, #tpu.memory_space<semaphore_mem>>
      %dma_start3A_109 = tpu.memref_squeeze %dma_start3A : memref<1x!tpu.dma_semaphore, #tpu.memory_space<semaphore_mem>> -> memref<!tpu.dma_semaphore, #tpu.memory_space<semaphore_mem>>
      %dma_start3A_110 = arith.constant 0 : i32
      %dma_start3A_111 = arith.constant 0 : i32
      %dma_start3A_112 = tpu.memref_slice %arg3[%select_n3A_92, %dma_start3A_110, %dma_start3A_111] : memref<3x10000x64xf32, #tpu.memory_space<vmem>> -> memref<1x10000x64xf32, #tpu.memory_space<vmem>>
      %dma_start3A_113 = tpu.memref_squeeze %dma_start3A_112 : memref<1x10000x64xf32, #tpu.memory_space<vmem>> -> memref<10000x64xf32, #tpu.memory_space<vmem>>
      %dma_start3A_114 = arith.constant 0 : i32
      %dma_start3A_115 = tpu.memref_slice %arg1[%mul3A_76, %dma_start3A_114] : memref<1000000x64xf32, #tpu.memory_space<any>> -> memref<10000x64xf32, #tpu.memory_space<any>>
      tpu.enqueue_dma source(%dma_start3A_115 : memref<10000x64xf32, #tpu.memory_space<any>>) target(%dma_start3A_113 : memref<10000x64xf32, #tpu.memory_space<vmem>>) target_semaphore(%dma_start3A_109 : memref<!tpu.dma_semaphore, #tpu.memory_space<semaphore_mem>>)
    } else {
    }
    %mul3A = arith.constant 2 : i32
    %mul3A_8 = arith.muli %arg0, %mul3A : i32
    %mul3A_9 = arith.constant 5000 : i32
    %mul3A_10 = arith.muli %mul3A_8, %mul3A_9 : i32
    %jit3A = arith.constant 3 : i32
    %eq3A_11 = arith.constant 0 : i32
    %eq3A_12 = arith.cmpi eq, %jit3A, %eq3A_11 : i32
    %jit3A_13 = arith.constant 1 : i32
    %select_n3A = arith.select %eq3A_12, %jit3A_13, %jit3A : i32
    %rem3A = arith.remsi %arg0, %select_n3A : i32
    %ne3A = arith.constant 0 : i32
    %ne3A_14 = arith.cmpi ne, %rem3A, %ne3A : i32
    %lt3A_15 = arith.constant 0 : i32
    %lt3A_16 = arith.cmpi slt, %rem3A, %lt3A_15 : i32
    %lt3A_17 = arith.constant 0 : i32
    %lt3A_18 = arith.cmpi slt, %select_n3A, %lt3A_17 : i32
    %ne3A_19 = arith.xori %lt3A_16, %lt3A_18 : i1
    %and3A = arith.andi %ne3A_19, %ne3A_14 : i1
    %add3A_20 = arith.addi %rem3A, %select_n3A : i32
    %select_n3A_21 = arith.select %and3A, %add3A_20, %rem3A : i32
    %jit3A_22 = arith.constant 3 : i32
    %eq3A_23 = arith.constant 0 : i32
    %eq3A_24 = arith.cmpi eq, %jit3A_22, %eq3A_23 : i32
    %jit3A_25 = arith.constant 1 : i32
    %select_n3A_26 = arith.select %eq3A_24, %jit3A_25, %jit3A_22 : i32
    %rem3A_27 = arith.remsi %arg0, %select_n3A_26 : i32
    %ne3A_28 = arith.constant 0 : i32
    %ne3A_29 = arith.cmpi ne, %rem3A_27, %ne3A_28 : i32
    %lt3A_30 = arith.constant 0 : i32
    %lt3A_31 = arith.cmpi slt, %rem3A_27, %lt3A_30 : i32
    %lt3A_32 = arith.constant 0 : i32
    %lt3A_33 = arith.cmpi slt, %select_n3A_26, %lt3A_32 : i32
    %ne3A_34 = arith.xori %lt3A_31, %lt3A_33 : i1
    %and3A_35 = arith.andi %ne3A_34, %ne3A_29 : i1
    %add3A_36 = arith.addi %rem3A_27, %select_n3A_26 : i32
    %select_n3A_37 = arith.select %and3A_35, %add3A_36, %rem3A_27 : i32
    %dma_wait3A = tpu.memref_slice %arg4[%select_n3A_37] : memref<3x!tpu.dma_semaphore, #tpu.memory_space<semaphore_mem>> -> memref<1x!tpu.dma_semaphore, #tpu.memory_space<semaphore_mem>>
    %dma_wait3A_38 = tpu.memref_squeeze %dma_wait3A : memref<1x!tpu.dma_semaphore, #tpu.memory_space<semaphore_mem>> -> memref<!tpu.dma_semaphore, #tpu.memory_space<semaphore_mem>>
    %dma_wait3A_39 = arith.constant 0 : i32
    %dma_wait3A_40 = arith.constant 0 : i32
    %dma_wait3A_41 = tpu.memref_slice %arg3[%select_n3A_21, %dma_wait3A_39, %dma_wait3A_40] : memref<3x10000x64xf32, #tpu.memory_space<vmem>> -> memref<1x10000x64xf32, #tpu.memory_space<vmem>>
    %dma_wait3A_42 = tpu.memref_squeeze %dma_wait3A_41 : memref<1x10000x64xf32, #tpu.memory_space<vmem>> -> memref<10000x64xf32, #tpu.memory_space<vmem>>
    %dma_wait3A_43 = arith.constant 0 : i32
    %dma_wait3A_44 = tpu.memref_slice %arg1[%mul3A_10, %dma_wait3A_43] : memref<1000000x64xf32, #tpu.memory_space<any>> -> memref<10000x64xf32, #tpu.memory_space<any>>
    tpu.wait_dma2 semaphore(%dma_wait3A_38 : memref<!tpu.dma_semaphore, #tpu.memory_space<semaphore_mem>>) src(%dma_wait3A_44 : memref<10000x64xf32, #tpu.memory_space<any>>) dst(%dma_wait3A_42 : memref<10000x64xf32, #tpu.memory_space<vmem>>)
    %jit3A_45 = arith.constant 3 : i32
    %eq3A_46 = arith.constant 0 : i32
    %eq3A_47 = arith.cmpi eq, %jit3A_45, %eq3A_46 : i32
    %jit3A_48 = arith.constant 1 : i32
    %select_n3A_49 = arith.select %eq3A_47, %jit3A_48, %jit3A_45 : i32
    %rem3A_50 = arith.remsi %arg0, %select_n3A_49 : i32
    %ne3A_51 = arith.constant 0 : i32
    %ne3A_52 = arith.cmpi ne, %rem3A_50, %ne3A_51 : i32
    %lt3A_53 = arith.constant 0 : i32
    %lt3A_54 = arith.cmpi slt, %rem3A_50, %lt3A_53 : i32
    %lt3A_55 = arith.constant 0 : i32
    %lt3A_56 = arith.cmpi slt, %select_n3A_49, %lt3A_55 : i32
    %ne3A_57 = arith.xori %lt3A_54, %lt3A_56 : i1
    %and3A_58 = arith.andi %ne3A_57, %ne3A_52 : i1
    %add3A_59 = arith.addi %rem3A_50, %select_n3A_49 : i32
    %select_n3A_60 = arith.select %and3A_58, %add3A_59, %rem3A_50 : i32
    %get3A = arith.index_cast %select_n3A_60 : i32 to index
    %get3A_61 = arith.constant 0 : index
    %get3A_62 = arith.constant 0 : index
    %get3A_63 = vector.load %arg3[%get3A, %get3A_61, %get3A_62] : memref<3x10000x64xf32, #tpu.memory_space<vmem>>, vector<1x10000x64xf32>
    %get3A_64 = vector.shape_cast %get3A_63 : vector<1x10000x64xf32> to vector<10000x64xf32>
    %reshape3A = vector.shape_cast %get3A_64 : vector<10000x64xf32> to vector<5000x2x64xf32>
    %slice3A = vector.extract_strided_slice %reshape3A {offsets = [0, 0, 0], sizes = [5000, 1, 64], strides = [1, 1, 1]} : vector<5000x2x64xf32> to vector<5000x1x64xf32>
    %squeeze3A = vector.shape_cast %slice3A : vector<5000x1x64xf32> to vector<5000x64xf32>
    %slice3A_65 = vector.extract_strided_slice %reshape3A {offsets = [0, 1, 0], sizes = [5000, 1, 64], strides = [1, 1, 1]} : vector<5000x2x64xf32> to vector<5000x1x64xf32>
    %squeeze3A_66 = vector.shape_cast %slice3A_65 : vector<5000x1x64xf32> to vector<5000x64xf32>
    %concatenate3A = tpu.concatenate %squeeze3A, %squeeze3A_66 in 1 : vector<5000x64xf32>, vector<5000x64xf32> -> vector<5000x128xf32>
    %swap3A = arith.constant 0 : index
    %swap3A_67 = arith.constant 0 : index
    %swap3A_68 = vector.load %arg2[%swap3A, %swap3A_67] : memref<5000x128xf32, #tpu.memory_space<vmem>>, vector<5000x128xf32>
    tpu.vector_store %arg2[%swap3A, %swap3A_67], %concatenate3A {strides = array<i32>} : memref<5000x128xf32, #tpu.memory_space<vmem>>, vector<5000x128xf32>,
    return
  }
  func.func @transform_1(%arg0: i32) -> (i32, i32) {
    %c0_i32 = arith.constant 0 : i32
    %c0_i32_0 = arith.constant 0 : i32
    return %arg0, %c0_i32 : i32, i32
  }
}

module attributes {stable_mosaic.version = 14 : i64} {
  func.func @_repack_body(%arg0: i32, %arg1: memref<100000x64xf32, #tpu.memory_space<any>>, %arg2: memref<5000x128xf32, #tpu.memory_space<vmem>>, %arg3: memref<3x10000x64xf32, #tpu.memory_space<vmem>>, %arg4: memref<3x!tpu.dma_semaphore, #tpu.memory_space<semaphore_mem>>) attributes {dimension_semantics = [#tpu.dimension_semantics<arbitrary>], iteration_bounds = array<i64: 10>, scalar_prefetch = 0 : i64, scratch_operands = 2 : i64, tpu.core_type = #tpu.core_type<tc>, window_params = [{}, {transform_indices = @transform_1, window_bounds = array<i64: 5000, 128>}]} {
    %eq3A = arith.constant 0 : i32
    %eq3A_0 = arith.cmpi eq, %arg0, %eq3A : i32
    %convert_element_type3A = arith.extui %eq3A_0 : i1 to i32
    %cond3A = arith.constant 0 : i32
    %cond3A_1 = arith.cmpi ne, %convert_element_type3A, %cond3A : i32
    scf.if %cond3A_1 {
      %dma_start3A = arith.constant 0 : i32
      %dma_start3A_69 = arith.constant 0 : i32
      %dma_start3A_70 = tpu.memref_slice %arg4[%dma_start3A_69] : memref<3x!tpu.dma_semaphore, #tpu.memory_space<semaphore_mem>> -> memref<1x!tpu.dma_semaphore, #tpu.memory_space<semaphore_mem>>
      %dma_start3A_71 = tpu.memref_squeeze %dma_start3A_70 : memref<1x!tpu.dma_semaphore, #tpu.memory_space<semaphore_mem>> -> memref<!tpu.dma_semaphore, #tpu.memory_space<semaphore_mem>>
      %dma_start3A_72 = arith.constant 0 : i32
      %dma_start3A_73 = arith.constant 0 : i32
      %dma_start3A_74 = tpu.memref_slice %arg3[%dma_start3A, %dma_start3A_72, %dma_start3A_73] : memref<3x10000x64xf32, #tpu.memory_space<vmem>> -> memref<1x10000x64xf32, #tpu.memory_space<vmem>>
      %dma_start3A_75 = tpu.memref_squeeze %dma_start3A_74 : memref<1x10000x64xf32, #tpu.memory_space<vmem>> -> memref<10000x64xf32, #tpu.memory_space<vmem>>
      %dma_start3A_76 = arith.constant 0 : i32
      %dma_start3A_77 = arith.constant 0 : i32
      %dma_start3A_78 = tpu.memref_slice %arg1[%dma_start3A_76, %dma_start3A_77] : memref<100000x64xf32, #tpu.memory_space<any>> -> memref<10000x64xf32, #tpu.memory_space<any>>
      tpu.enqueue_dma source(%dma_start3A_78 : memref<10000x64xf32, #tpu.memory_space<any>>) target(%dma_start3A_75 : memref<10000x64xf32, #tpu.memory_space<vmem>>) target_semaphore(%dma_start3A_71 : memref<!tpu.dma_semaphore, #tpu.memory_space<semaphore_mem>>)
      %dma_start3A_79 = arith.constant 1 : i32
      %dma_start3A_80 = arith.constant 1 : i32
      %dma_start3A_81 = tpu.memref_slice %arg4[%dma_start3A_80] : memref<3x!tpu.dma_semaphore, #tpu.memory_space<semaphore_mem>> -> memref<1x!tpu.dma_semaphore, #tpu.memory_space<semaphore_mem>>
      %dma_start3A_82 = tpu.memref_squeeze %dma_start3A_81 : memref<1x!tpu.dma_semaphore, #tpu.memory_space<semaphore_mem>> -> memref<!tpu.dma_semaphore, #tpu.memory_space<semaphore_mem>>
      %dma_start3A_83 = arith.constant 0 : i32
      %dma_start3A_84 = arith.constant 0 : i32
      %dma_start3A_85 = tpu.memref_slice %arg3[%dma_start3A_79, %dma_start3A_83, %dma_start3A_84] : memref<3x10000x64xf32, #tpu.memory_space<vmem>> -> memref<1x10000x64xf32, #tpu.memory_space<vmem>>
      %dma_start3A_86 = tpu.memref_squeeze %dma_start3A_85 : memref<1x10000x64xf32, #tpu.memory_space<vmem>> -> memref<10000x64xf32, #tpu.memory_space<vmem>>
      %dma_start3A_87 = arith.constant 10000 : i32
      %dma_start3A_88 = arith.constant 0 : i32
      %dma_start3A_89 = tpu.memref_slice %arg1[%dma_start3A_87, %dma_start3A_88] : memref<100000x64xf32, #tpu.memory_space<any>> -> memref<10000x64xf32, #tpu.memory_space<any>>
      tpu.enqueue_dma source(%dma_start3A_89 : memref<10000x64xf32, #tpu.memory_space<any>>) target(%dma_start3A_86 : memref<10000x64xf32, #tpu.memory_space<vmem>>) target_semaphore(%dma_start3A_82 : memref<!tpu.dma_semaphore, #tpu.memory_space<semaphore_mem>>)
    } else {
    }
    %add3A = arith.constant 3 : i32
    %add3A_2 = arith.addi %arg0, %add3A : i32
    %sub3A = arith.constant 1 : i32
    %sub3A_3 = arith.subi %add3A_2, %sub3A : i32
    %lt3A = arith.constant 10 : i32
    %lt3A_4 = arith.cmpi slt, %sub3A_3, %lt3A : i32
    %convert_element_type3A_5 = arith.extui %lt3A_4 : i1 to i32
    %cond3A_6 = arith.constant 0 : i32
    %cond3A_7 = arith.cmpi ne, %convert_element_type3A_5, %cond3A_6 : i32
    scf.if %cond3A_7 {
      %add3A_69 = arith.constant 3 : i32
      %add3A_70 = arith.addi %arg0, %add3A_69 : i32
      %sub3A_71 = arith.constant 1 : i32
      %sub3A_72 = arith.subi %add3A_70, %sub3A_71 : i32
      %mul3A_73 = arith.constant 2 : i32
      %mul3A_74 = arith.muli %sub3A_72, %mul3A_73 : i32
      %mul3A_75 = arith.constant 5000 : i32
      %mul3A_76 = arith.muli %mul3A_74, %mul3A_75 : i32
      %jit3A_77 = arith.constant 3 : i32
      %eq3A_78 = arith.constant 0 : i32
      %eq3A_79 = arith.cmpi eq, %jit3A_77, %eq3A_78 : i32
      %jit3A_80 = arith.constant 1 : i32
      %select_n3A_81 = arith.select %eq3A_79, %jit3A_80, %jit3A_77 : i32
      %rem3A_82 = arith.remsi %sub3A_72, %select_n3A_81 : i32
      %ne3A_83 = arith.constant 0 : i32
      %ne3A_84 = arith.cmpi ne, %rem3A_82, %ne3A_83 : i32
      %lt3A_85 = arith.constant 0 : i32
      %lt3A_86 = arith.cmpi slt, %rem3A_82, %lt3A_85 : i32
      %lt3A_87 = arith.constant 0 : i32
      %lt3A_88 = arith.cmpi slt, %select_n3A_81, %lt3A_87 : i32
      %ne3A_89 = arith.xori %lt3A_86, %lt3A_88 : i1
      %and3A_90 = arith.andi %ne3A_89, %ne3A_84 : i1
      %add3A_91 = arith.addi %rem3A_82, %select_n3A_81 : i32
      %select_n3A_92 = arith.select %and3A_90, %add3A_91, %rem3A_82 : i32
      %jit3A_93 = arith.constant 3 : i32
      %eq3A_94 = arith.constant 0 : i32
      %eq3A_95 = arith.cmpi eq, %jit3A_93, %eq3A_94 : i32
      %jit3A_96 = arith.constant 1 : i32
      %select_n3A_97 = arith.select %eq3A_95, %jit3A_96, %jit3A_93 : i32
      %rem3A_98 = arith.remsi %sub3A_72, %select_n3A_97 : i32
      %ne3A_99 = arith.constant 0 : i32
      %ne3A_100 = arith.cmpi ne, %rem3A_98, %ne3A_99 : i32
      %lt3A_101 = arith.constant 0 : i32
      %lt3A_102 = arith.cmpi slt, %rem3A_98, %lt3A_101 : i32
      %lt3A_103 = arith.constant 0 : i32
      %lt3A_104 = arith.cmpi slt, %select_n3A_97, %lt3A_103 : i32
      %ne3A_105 = arith.xori %lt3A_102, %lt3A_104 : i1
      %and3A_106 = arith.andi %ne3A_105, %ne3A_100 : i1
      %add3A_107 = arith.addi %rem3A_98, %select_n3A_97 : i32
      %select_n3A_108 = arith.select %and3A_106, %add3A_107, %rem3A_98 : i32
      %dma_start3A = tpu.memref_slice %arg4[%select_n3A_108] : memref<3x!tpu.dma_semaphore, #tpu.memory_space<semaphore_mem>> -> memref<1x!tpu.dma_semaphore, #tpu.memory_space<semaphore_mem>>
      %dma_start3A_109 = tpu.memref_squeeze %dma_start3A : memref<1x!tpu.dma_semaphore, #tpu.memory_space<semaphore_mem>> -> memref<!tpu.dma_semaphore, #tpu.memory_space<semaphore_mem>>
      %dma_start3A_110 = arith.constant 0 : i32
      %dma_start3A_111 = arith.constant 0 : i32
      %dma_start3A_112 = tpu.memref_slice %arg3[%select_n3A_92, %dma_start3A_110, %dma_start3A_111] : memref<3x10000x64xf32, #tpu.memory_space<vmem>> -> memref<1x10000x64xf32, #tpu.memory_space<vmem>>
      %dma_start3A_113 = tpu.memref_squeeze %dma_start3A_112 : memref<1x10000x64xf32, #tpu.memory_space<vmem>> -> memref<10000x64xf32, #tpu.memory_space<vmem>>
      %dma_start3A_114 = arith.constant 0 : i32
      %dma_start3A_115 = tpu.memref_slice %arg1[%mul3A_76, %dma_start3A_114] : memref<100000x64xf32, #tpu.memory_space<any>> -> memref<10000x64xf32, #tpu.memory_space<any>>
      tpu.enqueue_dma source(%dma_start3A_115 : memref<10000x64xf32, #tpu.memory_space<any>>) target(%dma_start3A_113 : memref<10000x64xf32, #tpu.memory_space<vmem>>) target_semaphore(%dma_start3A_109 : memref<!tpu.dma_semaphore, #tpu.memory_space<semaphore_mem>>)
    } else {
    }
    %mul3A = arith.constant 2 : i32
    %mul3A_8 = arith.muli %arg0, %mul3A : i32
    %mul3A_9 = arith.constant 5000 : i32
    %mul3A_10 = arith.muli %mul3A_8, %mul3A_9 : i32
    %jit3A = arith.constant 3 : i32
    %eq3A_11 = arith.constant 0 : i32
    %eq3A_12 = arith.cmpi eq, %jit3A, %eq3A_11 : i32
    %jit3A_13 = arith.constant 1 : i32
    %select_n3A = arith.select %eq3A_12, %jit3A_13, %jit3A : i32
    %rem3A = arith.remsi %arg0, %select_n3A : i32
    %ne3A = arith.constant 0 : i32
    %ne3A_14 = arith.cmpi ne, %rem3A, %ne3A : i32
    %lt3A_15 = arith.constant 0 : i32
    %lt3A_16 = arith.cmpi slt, %rem3A, %lt3A_15 : i32
    %lt3A_17 = arith.constant 0 : i32
    %lt3A_18 = arith.cmpi slt, %select_n3A, %lt3A_17 : i32
    %ne3A_19 = arith.xori %lt3A_16, %lt3A_18 : i1
    %and3A = arith.andi %ne3A_19, %ne3A_14 : i1
    %add3A_20 = arith.addi %rem3A, %select_n3A : i32
    %select_n3A_21 = arith.select %and3A, %add3A_20, %rem3A : i32
    %jit3A_22 = arith.constant 3 : i32
    %eq3A_23 = arith.constant 0 : i32
    %eq3A_24 = arith.cmpi eq, %jit3A_22, %eq3A_23 : i32
    %jit3A_25 = arith.constant 1 : i32
    %select_n3A_26 = arith.select %eq3A_24, %jit3A_25, %jit3A_22 : i32
    %rem3A_27 = arith.remsi %arg0, %select_n3A_26 : i32
    %ne3A_28 = arith.constant 0 : i32
    %ne3A_29 = arith.cmpi ne, %rem3A_27, %ne3A_28 : i32
    %lt3A_30 = arith.constant 0 : i32
    %lt3A_31 = arith.cmpi slt, %rem3A_27, %lt3A_30 : i32
    %lt3A_32 = arith.constant 0 : i32
    %lt3A_33 = arith.cmpi slt, %select_n3A_26, %lt3A_32 : i32
    %ne3A_34 = arith.xori %lt3A_31, %lt3A_33 : i1
    %and3A_35 = arith.andi %ne3A_34, %ne3A_29 : i1
    %add3A_36 = arith.addi %rem3A_27, %select_n3A_26 : i32
    %select_n3A_37 = arith.select %and3A_35, %add3A_36, %rem3A_27 : i32
    %dma_wait3A = tpu.memref_slice %arg4[%select_n3A_37] : memref<3x!tpu.dma_semaphore, #tpu.memory_space<semaphore_mem>> -> memref<1x!tpu.dma_semaphore, #tpu.memory_space<semaphore_mem>>
    %dma_wait3A_38 = tpu.memref_squeeze %dma_wait3A : memref<1x!tpu.dma_semaphore, #tpu.memory_space<semaphore_mem>> -> memref<!tpu.dma_semaphore, #tpu.memory_space<semaphore_mem>>
    %dma_wait3A_39 = arith.constant 0 : i32
    %dma_wait3A_40 = arith.constant 0 : i32
    %dma_wait3A_41 = tpu.memref_slice %arg3[%select_n3A_21, %dma_wait3A_39, %dma_wait3A_40] : memref<3x10000x64xf32, #tpu.memory_space<vmem>> -> memref<1x10000x64xf32, #tpu.memory_space<vmem>>
    %dma_wait3A_42 = tpu.memref_squeeze %dma_wait3A_41 : memref<1x10000x64xf32, #tpu.memory_space<vmem>> -> memref<10000x64xf32, #tpu.memory_space<vmem>>
    %dma_wait3A_43 = arith.constant 0 : i32
    %dma_wait3A_44 = tpu.memref_slice %arg1[%mul3A_10, %dma_wait3A_43] : memref<100000x64xf32, #tpu.memory_space<any>> -> memref<10000x64xf32, #tpu.memory_space<any>>
    tpu.wait_dma2 semaphore(%dma_wait3A_38 : memref<!tpu.dma_semaphore, #tpu.memory_space<semaphore_mem>>) src(%dma_wait3A_44 : memref<10000x64xf32, #tpu.memory_space<any>>) dst(%dma_wait3A_42 : memref<10000x64xf32, #tpu.memory_space<vmem>>)
    %jit3A_45 = arith.constant 3 : i32
    %eq3A_46 = arith.constant 0 : i32
    %eq3A_47 = arith.cmpi eq, %jit3A_45, %eq3A_46 : i32
    %jit3A_48 = arith.constant 1 : i32
    %select_n3A_49 = arith.select %eq3A_47, %jit3A_48, %jit3A_45 : i32
    %rem3A_50 = arith.remsi %arg0, %select_n3A_49 : i32
    %ne3A_51 = arith.constant 0 : i32
    %ne3A_52 = arith.cmpi ne, %rem3A_50, %ne3A_51 : i32
    %lt3A_53 = arith.constant 0 : i32
    %lt3A_54 = arith.cmpi slt, %rem3A_50, %lt3A_53 : i32
    %lt3A_55 = arith.constant 0 : i32
    %lt3A_56 = arith.cmpi slt, %select_n3A_49, %lt3A_55 : i32
    %ne3A_57 = arith.xori %lt3A_54, %lt3A_56 : i1
    %and3A_58 = arith.andi %ne3A_57, %ne3A_52 : i1
    %add3A_59 = arith.addi %rem3A_50, %select_n3A_49 : i32
    %select_n3A_60 = arith.select %and3A_58, %add3A_59, %rem3A_50 : i32
    %get3A = arith.index_cast %select_n3A_60 : i32 to index
    %get3A_61 = arith.constant 0 : index
    %get3A_62 = arith.constant 0 : index
    %get3A_63 = vector.load %arg3[%get3A, %get3A_61, %get3A_62] : memref<3x10000x64xf32, #tpu.memory_space<vmem>>, vector<1x10000x64xf32>
    %get3A_64 = vector.shape_cast %get3A_63 : vector<1x10000x64xf32> to vector<10000x64xf32>
    %reshape3A = vector.shape_cast %get3A_64 : vector<10000x64xf32> to vector<5000x2x64xf32>
    %slice3A = vector.extract_strided_slice %reshape3A {offsets = [0, 0, 0], sizes = [5000, 1, 64], strides = [1, 1, 1]} : vector<5000x2x64xf32> to vector<5000x1x64xf32>
    %squeeze3A = vector.shape_cast %slice3A : vector<5000x1x64xf32> to vector<5000x64xf32>
    %slice3A_65 = vector.extract_strided_slice %reshape3A {offsets = [0, 1, 0], sizes = [5000, 1, 64], strides = [1, 1, 1]} : vector<5000x2x64xf32> to vector<5000x1x64xf32>
    %squeeze3A_66 = vector.shape_cast %slice3A_65 : vector<5000x1x64xf32> to vector<5000x64xf32>
    %concatenate3A = tpu.concatenate %squeeze3A, %squeeze3A_66 in 1 : vector<5000x64xf32>, vector<5000x64xf32> -> vector<5000x128xf32>
    %swap3A = arith.constant 0 : index
    %swap3A_67 = arith.constant 0 : index
    %swap3A_68 = vector.load %arg2[%swap3A, %swap3A_67] : memref<5000x128xf32, #tpu.memory_space<vmem>>, vector<5000x128xf32>
    tpu.vector_store %arg2[%swap3A, %swap3A_67], %concatenate3A {strides = array<i32>} : memref<5000x128xf32, #tpu.memory_space<vmem>>, vector<5000x128xf32>,
    return
  }
  func.func @transform_1(%arg0: i32) -> (i32, i32) {
    %c0_i32 = arith.constant 0 : i32
    %c0_i32_0 = arith.constant 0 : i32
    return %arg0, %c0_i32 : i32, i32
  }
}

module attributes {stable_mosaic.version = 14 : i64} {
  func.func @_mlp_body(%arg0: i32, %arg1: memref<1024x128xf32, #tpu.memory_space<vmem>>, %arg2: memref<1024x128xf32, #tpu.memory_space<vmem>>, %arg3: memref<1024x1xi32, #tpu.memory_space<vmem>>, %arg4: memref<1024x1xi32, #tpu.memory_space<vmem>>, %arg5: memref<64x128xf32, #tpu.memory_space<vmem>>, %arg6: memref<64x128xf32, #tpu.memory_space<vmem>>, %arg7: memref<1x128xf32, #tpu.memory_space<vmem>>, %arg8: memref<128x64xf32, #tpu.memory_space<vmem>>, %arg9: memref<1x64xf32, #tpu.memory_space<vmem>>, %arg10: memref<64x32xf32, #tpu.memory_space<vmem>>, %arg11: memref<1x32xf32, #tpu.memory_space<vmem>>, %arg12: memref<1x32xf32, #tpu.memory_space<vmem>>, %arg13: memref<1x1xf32, #tpu.memory_space<vmem>>, %arg14: memref<1024xf32, #tpu.memory_space<vmem>>) attributes {dimension_semantics = [#tpu.dimension_semantics<arbitrary>], iteration_bounds = array<i64: 16>, scalar_prefetch = 0 : i64, scratch_operands = 0 : i64, tpu.core_type = #tpu.core_type<tc>, window_params = [{transform_indices = @transform_0, window_bounds = array<i64: 1024, 128>}, {transform_indices = @transform_1, window_bounds = array<i64: 1024, 128>}, {transform_indices = @transform_2, window_bounds = array<i64: 1024, 1>}, {transform_indices = @transform_3, window_bounds = array<i64: 1024, 1>}, {pipeline_mode = #tpu.pipeline_mode<synchronous>, transform_indices = @transform_4, window_bounds = array<i64: 64, 128>}, {pipeline_mode = #tpu.pipeline_mode<synchronous>, transform_indices = @transform_5, window_bounds = array<i64: 64, 128>}, {pipeline_mode = #tpu.pipeline_mode<synchronous>, transform_indices = @transform_6, window_bounds = array<i64: 1, 128>}, {pipeline_mode = #tpu.pipeline_mode<synchronous>, transform_indices = @transform_7, window_bounds = array<i64: 128, 64>}, {pipeline_mode = #tpu.pipeline_mode<synchronous>, transform_indices = @transform_8, window_bounds = array<i64: 1, 64>}, {pipeline_mode = #tpu.pipeline_mode<synchronous>, transform_indices = @transform_9, window_bounds = array<i64: 64, 32>}, {pipeline_mode = #tpu.pipeline_mode<synchronous>, transform_indices = @transform_10, window_bounds = array<i64: 1, 32>}, {pipeline_mode = #tpu.pipeline_mode<synchronous>, transform_indices = @transform_11, window_bounds = array<i64: 1, 32>}, {pipeline_mode = #tpu.pipeline_mode<synchronous>, transform_indices = @transform_12, window_bounds = array<i64: 1, 1>}, {transform_indices = @transform_13, window_bounds = array<i64: 1024>}]} {
    %get3A = arith.constant 0 : index
    %get3A_0 = arith.constant 0 : index
    %get3A_1 = vector.load %arg1[%get3A, %get3A_0] : memref<1024x128xf32, #tpu.memory_space<vmem>>, vector<1024x128xf32>
    %get3A_2 = arith.constant 0 : index
    %get3A_3 = arith.constant 0 : index
    %get3A_4 = vector.load %arg2[%get3A_2, %get3A_3] : memref<1024x128xf32, #tpu.memory_space<vmem>>, vector<1024x128xf32>
    %get3A_5 = arith.constant 0 : index
    %get3A_6 = arith.constant 0 : index
    %get3A_7 = vector.load %arg3[%get3A_5, %get3A_6] : memref<1024x1xi32, #tpu.memory_space<vmem>>, vector<1024x1xi32>
    %ne3A = arith.constant 0 : i32
    %ne3A_8 = vector.broadcast %ne3A : i32 to vector<1024x1xi32>
    %ne3A_9 = arith.cmpi ne, %get3A_7, %ne3A_8 : vector<1024x1xi32>
    %slice3A = vector.extract_strided_slice %get3A_1 {offsets = [0, 64], sizes = [1024, 64], strides = [1, 1]} : vector<1024x128xf32> to vector<1024x64xf32>
    %slice3A_10 = vector.extract_strided_slice %get3A_1 {offsets = [0, 0], sizes = [1024, 64], strides = [1, 1]} : vector<1024x128xf32> to vector<1024x64xf32>
    %broadcast_in_dim3A = vector.shape_cast %ne3A_9 : vector<1024x1xi1> to vector<1024x1xi1>
    %broadcast_in_dim3A_11 = vector.broadcast %broadcast_in_dim3A : vector<1024x1xi1> to vector<1024x64xi1>
    %select_n3A = arith.select %broadcast_in_dim3A_11, %slice3A, %slice3A_10 : vector<1024x64xi1>, vector<1024x64xf32>
    %get3A_12 = arith.constant 0 : index
    %get3A_13 = arith.constant 0 : index
    %get3A_14 = vector.load %arg4[%get3A_12, %get3A_13] : memref<1024x1xi32, #tpu.memory_space<vmem>>, vector<1024x1xi32>
    %ne3A_15 = arith.constant 0 : i32
    %ne3A_16 = vector.broadcast %ne3A_15 : i32 to vector<1024x1xi32>
    %ne3A_17 = arith.cmpi ne, %get3A_14, %ne3A_16 : vector<1024x1xi32>
    %slice3A_18 = vector.extract_strided_slice %get3A_4 {offsets = [0, 64], sizes = [1024, 64], strides = [1, 1]} : vector<1024x128xf32> to vector<1024x64xf32>
    %slice3A_19 = vector.extract_strided_slice %get3A_4 {offsets = [0, 0], sizes = [1024, 64], strides = [1, 1]} : vector<1024x128xf32> to vector<1024x64xf32>
    %broadcast_in_dim3A_20 = vector.shape_cast %ne3A_17 : vector<1024x1xi1> to vector<1024x1xi1>
    %broadcast_in_dim3A_21 = vector.broadcast %broadcast_in_dim3A_20 : vector<1024x1xi1> to vector<1024x64xi1>
    %select_n3A_22 = arith.select %broadcast_in_dim3A_21, %slice3A_18, %slice3A_19 : vector<1024x64xi1>, vector<1024x64xf32>
    %get3A_23 = arith.constant 0 : index
    %get3A_24 = arith.constant 0 : index
    %get3A_25 = vector.load %arg5[%get3A_23, %get3A_24] : memref<64x128xf32, #tpu.memory_space<vmem>>, vector<64x128xf32>
    %dot_general3A = arith.constant dense<0.000000e+00> : vector<1024x128xf32>
    %dot_general3A_26 = tpu.matmul %select_n3A, %get3A_25, %dot_general3A {dimension_numbers = #tpu.dot_dimension_numbers<[1], [0], [0], [1], [0, 0, 1, 1], [], []>, transpose_lhs_hint = false} : vector<1024x64xf32>, vector<64x128xf32>, vector<1024x128xf32> -> vector<1024x128xf32>
    %get3A_27 = arith.constant 0 : index
    %get3A_28 = arith.constant 0 : index
    %get3A_29 = vector.load %arg6[%get3A_27, %get3A_28] : memref<64x128xf32, #tpu.memory_space<vmem>>, vector<64x128xf32>
    %dot_general3A_30 = arith.constant dense<0.000000e+00> : vector<1024x128xf32>
    %dot_general3A_31 = tpu.matmul %select_n3A_22, %get3A_29, %dot_general3A_30 {dimension_numbers = #tpu.dot_dimension_numbers<[1], [0], [0], [1], [0, 0, 1, 1], [], []>, transpose_lhs_hint = false} : vector<1024x64xf32>, vector<64x128xf32>, vector<1024x128xf32> -> vector<1024x128xf32>
    %add3A = arith.addf %dot_general3A_26, %dot_general3A_31 : vector<1024x128xf32>
    %get3A_32 = arith.constant 0 : index
    %get3A_33 = arith.constant 0 : index
    %get3A_34 = vector.load %arg7[%get3A_32, %get3A_33] : memref<1x128xf32, #tpu.memory_space<vmem>>, vector<1x128xf32>
    %add3A_35 = vector.broadcast %get3A_34 : vector<1x128xf32> to vector<1024x128xf32>
    %add3A_36 = arith.addf %add3A, %add3A_35 : vector<1024x128xf32>
    %max3A = arith.constant 0.000000e+00 : f32
    %max3A_37 = vector.broadcast %max3A : f32 to vector<1024x128xf32>
    %max3A_38 = arith.maximumf %add3A_36, %max3A_37 : vector<1024x128xf32>
    %get3A_39 = arith.constant 0 : index
    %get3A_40 = arith.constant 0 : index
    %get3A_41 = vector.load %arg8[%get3A_39, %get3A_40] : memref<128x64xf32, #tpu.memory_space<vmem>>, vector<128x64xf32>
    %dot_general3A_42 = arith.constant dense<0.000000e+00> : vector<1024x64xf32>
    %dot_general3A_43 = tpu.matmul %max3A_38, %get3A_41, %dot_general3A_42 {dimension_numbers = #tpu.dot_dimension_numbers<[1], [0], [0], [1], [0, 0, 1, 1], [], []>, transpose_lhs_hint = false} : vector<1024x128xf32>, vector<128x64xf32>, vector<1024x64xf32> -> vector<1024x64xf32>
    %get3A_44 = arith.constant 0 : index
    %get3A_45 = arith.constant 0 : index
    %get3A_46 = vector.load %arg9[%get3A_44, %get3A_45] : memref<1x64xf32, #tpu.memory_space<vmem>>, vector<1x64xf32>
    %add3A_47 = vector.broadcast %get3A_46 : vector<1x64xf32> to vector<1024x64xf32>
    %add3A_48 = arith.addf %dot_general3A_43, %add3A_47 : vector<1024x64xf32>
    %max3A_49 = arith.constant 0.000000e+00 : f32
    %max3A_50 = vector.broadcast %max3A_49 : f32 to vector<1024x64xf32>
    %max3A_51 = arith.maximumf %add3A_48, %max3A_50 : vector<1024x64xf32>
    %get3A_52 = arith.constant 0 : index
    %get3A_53 = arith.constant 0 : index
    %get3A_54 = vector.load %arg10[%get3A_52, %get3A_53] : memref<64x32xf32, #tpu.memory_space<vmem>>, vector<64x32xf32>
    %dot_general3A_55 = arith.constant dense<0.000000e+00> : vector<1024x32xf32>
    %dot_general3A_56 = tpu.matmul %max3A_51, %get3A_54, %dot_general3A_55 {dimension_numbers = #tpu.dot_dimension_numbers<[1], [0], [0], [1], [0, 0, 1, 1], [], []>, transpose_lhs_hint = false} : vector<1024x64xf32>, vector<64x32xf32>, vector<1024x32xf32> -> vector<1024x32xf32>
    %get3A_57 = arith.constant 0 : index
    %get3A_58 = arith.constant 0 : index
    %get3A_59 = vector.load %arg11[%get3A_57, %get3A_58] : memref<1x32xf32, #tpu.memory_space<vmem>>, vector<1x32xf32>
    %add3A_60 = vector.broadcast %get3A_59 : vector<1x32xf32> to vector<1024x32xf32>
    %add3A_61 = arith.addf %dot_general3A_56, %add3A_60 : vector<1024x32xf32>
    %max3A_62 = arith.constant 0.000000e+00 : f32
    %max3A_63 = vector.broadcast %max3A_62 : f32 to vector<1024x32xf32>
    %max3A_64 = arith.maximumf %add3A_61, %max3A_63 : vector<1024x32xf32>
    %get3A_65 = arith.constant 0 : index
    %get3A_66 = arith.constant 0 : index
    %get3A_67 = vector.load %arg12[%get3A_65, %get3A_66] : memref<1x32xf32, #tpu.memory_space<vmem>>, vector<1x32xf32>
    %mul3A = vector.broadcast %get3A_67 : vector<1x32xf32> to vector<1024x32xf32>
    %mul3A_68 = arith.mulf %max3A_64, %mul3A : vector<1024x32xf32>
    %reduce_sum3A = arith.constant dense<0.000000e+00> : vector<1024xf32>
    %reduce_sum3A_69 = vector.multi_reduction <add>, %mul3A_68, %reduce_sum3A [1] : vector<1024x32xf32> to vector<1024xf32>
    %get3A_70 = arith.constant 0 : index
    %get3A_71 = arith.constant 0 : index
    %get3A_72 = vector.load %arg13[%get3A_70, %get3A_71] : memref<1x1xf32, #tpu.memory_space<vmem>>, vector<1x1xf32>
    %get3A_73 = vector.extract %get3A_72[0, 0] : f32 from vector<1x1xf32>
    %add3A_74 = vector.broadcast %get3A_73 : f32 to vector<1024xf32>
    %add3A_75 = arith.addf %reduce_sum3A_69, %add3A_74 : vector<1024xf32>
    %swap3A = arith.constant 0 : index
    %swap3A_76 = vector.load %arg14[%swap3A] : memref<1024xf32, #tpu.memory_space<vmem>>, vector<1024xf32>
    tpu.vector_store %arg14[%swap3A], %add3A_75 {strides = array<i32>} : memref<1024xf32, #tpu.memory_space<vmem>>, vector<1024xf32>,
    return
  }
  func.func @transform_0(%arg0: i32) -> (i32, i32) {
    %c0_i32 = arith.constant 0 : i32
    %c0_i32_0 = arith.constant 0 : i32
    return %arg0, %c0_i32 : i32, i32
  }
  func.func @transform_1(%arg0: i32) -> (i32, i32) {
    %c0_i32 = arith.constant 0 : i32
    %c0_i32_0 = arith.constant 0 : i32
    return %arg0, %c0_i32 : i32, i32
  }
  func.func @transform_2(%arg0: i32) -> (i32, i32) {
    %c0_i32 = arith.constant 0 : i32
    %c0_i32_0 = arith.constant 0 : i32
    return %arg0, %c0_i32 : i32, i32
  }
  func.func @transform_3(%arg0: i32) -> (i32, i32) {
    %c0_i32 = arith.constant 0 : i32
    %c0_i32_0 = arith.constant 0 : i32
    return %arg0, %c0_i32 : i32, i32
  }
  func.func @transform_4(%arg0: i32) -> (i32, i32) {
    %c0_i32 = arith.constant 0 : i32
    %c0_i32_0 = arith.constant 0 : i32
    %c0_i32_1 = arith.constant 0 : i32
    return %c0_i32, %c0_i32_0 : i32, i32
  }
  func.func @transform_5(%arg0: i32) -> (i32, i32) {
    %c0_i32 = arith.constant 0 : i32
    %c0_i32_0 = arith.constant 0 : i32
    %c0_i32_1 = arith.constant 0 : i32
    return %c0_i32, %c0_i32_0 : i32, i32
  }
  func.func @transform_6(%arg0: i32) -> (i32, i32) {
    %c0_i32 = arith.constant 0 : i32
    %c0_i32_0 = arith.constant 0 : i32
    %c0_i32_1 = arith.constant 0 : i32
    return %c0_i32, %c0_i32_0 : i32, i32
  }
  func.func @transform_7(%arg0: i32) -> (i32, i32) {
    %c0_i32 = arith.constant 0 : i32
    %c0_i32_0 = arith.constant 0 : i32
    %c0_i32_1 = arith.constant 0 : i32
    return %c0_i32, %c0_i32_0 : i32, i32
  }
  func.func @transform_8(%arg0: i32) -> (i32, i32) {
    %c0_i32 = arith.constant 0 : i32
    %c0_i32_0 = arith.constant 0 : i32
    %c0_i32_1 = arith.constant 0 : i32
    return %c0_i32, %c0_i32_0 : i32, i32
  }
  func.func @transform_9(%arg0: i32) -> (i32, i32) {
    %c0_i32 = arith.constant 0 : i32
    %c0_i32_0 = arith.constant 0 : i32
    %c0_i32_1 = arith.constant 0 : i32
    return %c0_i32, %c0_i32_0 : i32, i32
  }
  func.func @transform_10(%arg0: i32) -> (i32, i32) {
    %c0_i32 = arith.constant 0 : i32
    %c0_i32_0 = arith.constant 0 : i32
    %c0_i32_1 = arith.constant 0 : i32
    return %c0_i32, %c0_i32_0 : i32, i32
  }
  func.func @transform_11(%arg0: i32) -> (i32, i32) {
    %c0_i32 = arith.constant 0 : i32
    %c0_i32_0 = arith.constant 0 : i32
    %c0_i32_1 = arith.constant 0 : i32
    return %c0_i32, %c0_i32_0 : i32, i32
  }
  func.func @transform_12(%arg0: i32) -> (i32, i32) {
    %c0_i32 = arith.constant 0 : i32
    %c0_i32_0 = arith.constant 0 : i32
    %c0_i32_1 = arith.constant 0 : i32
    return %c0_i32, %c0_i32_0 : i32, i32
  }
  func.func @transform_13(%arg0: i32) -> i32 {
    %c0_i32 = arith.constant 0 : i32
    return %arg0 : i32
  }
}

</mosaic_0001>

<sc_bundles>
// kernel: kernel.10.cloned.1.call-start
scs
__scs_entry_jumppad:
0x0: {  	(pc) =	sbr.rel $0x88, $3  }
0x1: {  	(tag) =	ssettag $0x0;
	lr =	simm.s32 $0x1  }
0x2: {  	[smem:$0x3F95] =	sst lr;
	_ =	strace $0xD0000000  }
0x3: {  	_ = 	snop  }
0x4: {  	_ = 	snop  }
0x5: {  	_ = 	snop  }
0x6: {  	_ = 	snop  }
0x7: {  	_ = 	snop  }
__scs_overlays_trampoline_lowered:
0x8: {  	[smem:$0x3FA4] =	sst s0  }
0x9: {  	[smem:$0x3FA5] =	sst s1  }
0xa: {  	[smem:$0x3FA6] =	sst s2  }
0xb: {  	[smem:$0x3FA7] =	sst s3  }
0xc: {  	[smem:$0x3FA8] =	sst s4  }
0xd: {  	[smem:$0x3FA9] =	sst s5  }
0xe: {  	[smem:$0x3FAA] =	sst s6  }
0xf: {  	[smem:$0x3FAB] =	sst s7  }
0x10: {  	[smem:$0x3FAC] =	sst s8  }
0x11: {  	[smem:$0x3FAD] =	sst s9;
	s0 =	simm.s32 @!p0 $0x0  }
0x12: {  	s1 =	sld [smem:$0x3F93];
	s0 =	simm.s32 @p0 $0x1  }
0x13: {  	[smem:$0x3FAE] =	sst s0;
	s0 =	simm.s32 @!p1 $0x0  }
0x14: {  	s2 =	sld [smem:$0x3F92];
	s0 =	simm.s32 @p1 $0x1  }
0x15: {  	[smem:$0x3FAF] =	sst s0;
	s0 =	simm.s32 @!p2 $0x0  }
0x16: {  	s3 =	sld [smem:$0x3FDB];
	s0 =	simm.s32 @p2 $0x1  }
0x17: {  	s4 =	simm.s32 $0x1BF5;
	[smem:$0x3FB1] =	sst s0  }
0x18: {  	s0 =	sld [smem:$0x3F94];
	_ =	swait.ge [sflag:s4], $0x0  }
0x19: {  	s7 =	sld [smem:$0x3F95]  }
0x1a: {  	s8 =	sadd.s32 $0xFFFFE003, lr  }
0x1b: {  	s9 =	sadd.s32 $0xFFFFFEF7, lr;
	s5 =	simm.s32 $0xFFFFFFFF;
	p2 =	slt.u32 s8, $0xFFFFF086  }
0x1c: {  	p1 =	slt.u32 s9, $0xF7A;
	s5 =	simm.s32 @!p2 $0x0  }
0x1d: {  	s5 =	simm.s32 @p1 $0x1;
	p0 =	seq.s32 s7, s2  }
0x1e: {  	s7 =	smul.u32 @!p0 $0xF7A, s2;
	p2 =	seq.s32 @!p0 s5, $0x0  }
0x1f: {  	s9 =	smul.u32 $0xF7A, s1;
	s8 =	simm.s32 @!p0 $0x1BF5;
	p2 =	por !p2, p0  }
0x20: {  	[sflag:s8] =	ssyncset.s32 @!p0 $0xFFFFF086;
	s6 =	sadd.s32 @!p0 s3, s7;
	s7 =	simm.s32 @!p0 $0x108  }
0x21: {  	s3 =	sadd.s32 s3, s9;
	s6 =	sadd.s32 @!p0 $0x88, s6;
	s7 =	simm.s32 @p2 $0x1082  }
0x22: {  	[simem:s7], [sflag:s8] =	dma.local @!p0 [hbm:s6], $0xF7A  }
0x23: {  	s9 =	sor.u32 $0xD0000000, s2;
	s6 =	simm.s32 $0x108;
	_ =	swait.ge @!p0 [sflag:s8], $0x0  }
0x24: {  	s3 =	sadd.s32 $0x88, s3;
	s6 =	simm.s32 @!p1 $0x1082;
	[sflag:s4] =	ssyncset.s32 $0xFFFFF086  }
0x25: {  	[simem:s6], [sflag:s4] =	dma.local [hbm:s3], $0xF7A  }
0x26: {  	[smem:$0x3F95] =	sst s1;
	(tag) =	ssettag s2;
	_ =	strace s9  }
0x27: {  	s1 =	sld [smem:$0x3FA5]  }
0x28: {  	s2 =	sld [smem:$0x3FA6]  }
0x29: {  	s4 =	sld [smem:$0x3FA8]  }
0x2a: {  	p0 =	seq.s32 s5, $0x0;
	s5 =	sld [smem:$0x3FA9]  }
0x2b: {  	s6 =	sld [smem:$0x3FAA]  }
0x2c: {  	s7 =	sld [smem:$0x3FAB]  }
0x2d: {  	s3 =	simm.s32 $0x108;
	s8 =	sld [smem:$0x3FAC]  }
0x2e: {  	s3 =	simm.s32 @!p0 $0x1082;
	s9 =	sld [smem:$0x3FAD]  }
0x2f: {  	lr =	sadd.s32 s0, s3;
	s0 =	sld [smem:$0x3FA4]  }
0x30: {  	s3 =	sld [smem:$0x3FA7]  }
0x31: {  	[smem:$0x3FB0] =	sst s10  }
0x32: {  	s10 =	sld [smem:$0x3FAE];
	_ =	sdelay $0x3  }
0x33: {  	p0 =	seq.s32 s10, $0x1;
	s10 =	sld [smem:$0x3FB0];
	_ =	sdelay $0x3  }
0x34: {  	[smem:$0x3FB0] =	sst s10  }
0x35: {  	s10 =	sld [smem:$0x3FAF];
	_ =	sdelay $0x3  }
0x36: {  	p1 =	seq.s32 s10, $0x1;
	s10 =	sld [smem:$0x3FB0];
	_ =	sdelay $0x3  }
0x37: {  	[smem:$0x3FB0] =	sst s10  }
0x38: {  	s10 =	sld [smem:$0x3FB1]  }
0x39: {  	_ = 	snop;
	(pc) =	sbr.ind lr, $3  }
0x3a: {  	_ = 	snop  }
0x3b: {  	_ = 	snop  }
0x3c: {  	p2 =	seq.s32 s10, $0x1;
	s10 =	sld [smem:$0x3FB0]  }
0x3d: {  	_ =	shalt  }
0x3e: {  	_ =	shalt  }
0x3f: {  	_ =	shalt  }
0x40: {  	_ =	shalt  }
0x41: {  	_ =	shalt  }
0x42: {  	_ =	shalt  }
0x43: {  	_ =	shalt  }
0x44: {  	_ =	shalt  }
0x45: {  	_ =	shalt  }
0x46: {  	_ =	shalt  }
0x47: {  	_ =	shalt  }
0x48: {  	_ =	shalt  }
0x49: {  	_ =	shalt  }
0x4a: {  	_ =	shalt  }
0x4b: {  	_ =	shalt  }
0x4c: {  	_ =	shalt  }
0x4d: {  	_ =	shalt  }
0x4e: {  	_ =	shalt  }
0x4f: {  	_ =	shalt  }
0x50: {  	_ =	shalt  }
0x51: {  	_ =	shalt  }
0x52: {  	_ =	shalt  }
0x53: {  	_ =	shalt  }
0x54: {  	_ =	shalt  }
0x55: {  	_ =	shalt  }
0x56: {  	_ =	shalt  }
0x57: {  	_ =	shalt  }
0x58: {  	_ =	shalt  }
0x59: {  	_ =	shalt  }
0x5a: {  	_ =	shalt  }
0x5b: {  	_ =	shalt  }
0x5c: {  	_ =	shalt  }
0x5d: {  	_ =	shalt  }
0x5e: {  	_ =	shalt  }
0x5f: {  	_ =	shalt  }
0x60: {  	_ =	shalt  }
0x61: {  	_ =	shalt  }
0x62: {  	_ =	shalt  }
0x63: {  	_ =	shalt  }
0x64: {  	_ =	shalt  }
0x65: {  	_ =	shalt  }
0x66: {  	_ =	shalt  }
0x67: {  	_ =	shalt  }
0x68: {  	_ =	shalt  }
0x69: {  	_ =	shalt  }
0x6a: {  	_ =	shalt  }
0x6b: {  	_ =	shalt  }
0x6c: {  	_ =	shalt  }
0x6d: {  	_ =	shalt  }
0x6e: {  	_ =	shalt  }
0x6f: {  	_ =	shalt  }
0x70: {  	_ =	shalt  }
0x71: {  	_ =	shalt  }
0x72: {  	_ =	shalt  }
0x73: {  	_ =	shalt  }
0x74: {  	_ =	shalt  }
0x75: {  	_ =	shalt  }
0x76: {  	_ =	shalt  }
0x77: {  	_ =	shalt  }
0x78: {  	_ =	shalt  }
0x79: {  	_ =	shalt  }
0x7a: {  	_ =	shalt  }
0x7b: {  	_ =	shalt  }
0x7c: {  	_ =	shalt  }
0x7d: {  	_ =	shalt  }
0x7e: {  	_ =	shalt  }
0x7f: {  	_ =	shalt  }
0x80: {  	_ =	shalt  }
0x81: {  	_ =	shalt  }
0x82: {  	_ =	shalt  }
0x83: {  	_ =	shalt  }
0x84: {  	_ =	shalt  }
0x85: {  	_ =	shalt  }
0x86: {  	_ =	shalt  }
0x87: {  	_ =	shalt  }
.Lfunc_end0:
.L_simem_size_0:
called_computation.1_lowered:
.L_overlay_start_0:
0x88: {  	s2 =	sld [smem:$0x3FD9]  }
0x89: {  	s3 =	sld [smem:$0x3FFE];
	_ =	sdelay $0x1  }
0x8a: {  	s1 =	srdreg.scid  }
0x8b: {  	s0 =	sand.u32 $0x1, s1  }
0x8c: {  	s16 =	sshll.u32 s0, $0xA;
	s2 =	sadd.s32 s3, s2  }
0x8d: {  	s2 =	sadd.s32 s2, s16  }
0x8e: {  	[smem:$0x3FBC] =	sst s2  }
0x8f: {  	_ = 	snop  }
0x90: {  	(tm) =	ssettm $0x1  }
0x91: {  	s17 =	sld [smem:$0x3FFB];
	_ =	sdelay $0x3  }
0x92: {  	_ =	strace s17  }
0x93: {  	s2 =	sld [smem:$0x3FFC];
	_ =	sdelay $0x3  }
0x94: {  	_ =	strace s2  }
0x95: {  	s2 =	sld [smem:$0x3FFD];
	_ =	sdelay $0x3  }
0x96: {  	_ =	strace s2  }
0x97: {  	_ =	strace $0x8FFFFFFF  }
0x98: {  	s18 =	sld [smem:$0x3FDB];
	_ =	sdelay $0x1  }
0x99: {  	s19 =	simm.s32 $_scs_section_size  }
0x9a: {  	s4 =	simm.s32 $_size__tile_overlayer_lowered;
	s5 =	simm.s32 $_tile_overlayer_lowered  }
0x9b: {  	s22 =	simm.s32 $0x1BFF;
	s21 =	sshll.u32 s5, $0x1;
	s2 =	sadd.s32 s19, s18  }
0x9c: {  	s6 =	simm.s32 $0x0;
	s20 =	sshll.u32 s4, $0x1;
	s4 =	sadd.s32 s21, s2  }
0x9d: {  	[timem:s6], [sflag:s22] =	dma.local [hbm:s4], s20  }
0x9e: {  	_ =	swait.ge [sflag:s22], s20  }
0x9f: {  	s3 =	ssub.s32 $0x0, s20;
	[sflag:s22] =	ssyncset.done $0x0  }
0xa0: {  	[sflag:s22] =	ssyncadd.s32 s3;
	_ =	sdelay $0x1  }
0xa1: {  	s23 =	simm.s32 $0x1B8B  }
0xa2: {  	_ =	swait.ge [sflag:s23], $0x1  }
0xa3: {  	[sflag:s23] =	ssyncset.done $0x0  }
0xa4: {  	s25 =	simm.s32 $0x1B8E;
	s24 =	sld [smem:$0x3FFE];
	[sflag:s23] =	ssyncadd.s32 $0xFFFFFFFF  }
0xa5: {  	s26 =	simm.s32 $execute0_lowered;
	[smem:$0x3FD2] =	sst s25  }
0xa6: {  	s4 =	sshll.u32 s26, $0x1;
	_ =	strace $0x80000046;
	[dreg:$0x1] =	wrdreg $0xFFFFFFFF  }
0xa7: {  	s28 =	simm.s32 $_size_execute0_lowered;
	s2 =	sadd.s32 s2, s4;
	[dreg:$0x0] =	wrdreg $0x0  }
0xa8: {  	s4 =	sshll.u32 s28, $0x1;
	[dreg:$0x2] =	wrdreg s2  }
0xa9: {  	[dreg:$0x3] =	wrdreg s4  }
0xaa: {  	[dreg:$0x4] =	wrdreg $0xC0  }
0xab: {  	_ =	task [dreg:s6], $0x5FFFF  }
0xac: {  	[dreg:$0x1] =	wrdreg $0xFFFFFFFF  }
0xad: {  	[dreg:$0x0] =	wrdreg $0x60  }
0xae: {  	[dreg:$0x2] =	wrdreg s24  }
0xaf: {  	[dreg:$0x3] =	wrdreg $0xA  }
0xb0: {  	_ =	task.clear_ibuf [dreg:s6], $0x4FFFF;
	_ =	strace $0x90000046  }
0xb1: {  	s29 =	simm.s32 $0xA;
	_ =	strace $0x80000048  }
0xb2: {  	_ =	swait.ge [sflag:s29], $0x1  }
0xb3: {  	[sflag:s29] =	ssyncadd.s32 $0xFFFFFFFF  }
0xb4: {  	_ =	strace $0x90000048  }
0xb5: {  	_ =	sfence  }
0xb6: {  	s30 =	sld [smem:$0x0];
	_ =	sdelay $0x2  }
0xb7: {  	s31 =	sshll.u32 s1, $0xD;
	s1 =	sshrl.u32 s1, $0x2  }
0xb8: {  	s3 =	sand.u32 $0x4000, s31;
	s1 =	sadd.s32 s1, s30  }
0xb9: {  	s0 =	sor.u32 s3, s0;
	s1 =	sshll.u32 s1, $0x11  }
0xba: {  	s0 =	sor.u32 s1, s0  }
0xbb: {  	s0 =	sadd.s32 $0x8F2B, s0  }
0xbc: {  	[sflag:s0] =	ssyncadd.remote.s32 $0x1  }
0xbd: {  	_ =	sfence.sel $0xFFFF  }
0xbe: {  	[dreg:$0x0] =	wrdreg $0xFFFFFFFF;
	(pc) =	sbr.abs _section_cstart, $3  }
0xbf: {  	[dreg:$0x1] =	wrdreg $0xFFFFFFFF  }
0xc0: {  	_ =	task.clear_ibuf [dreg:s6], $0x2FFFF;
	_ =	strace $0x9FFFFFFF  }
0xc1: {  	(tm) =	ssettm $0x7FFFFFFF  }
tec
execute0_lowered:
.L_overlay_start_1:
0x0: {  	(tag) =	ssettag $0x1  }
0x1: {  	s0 =	srdreg.scid  }
0x2: {  	s10 =	rddreg [dreg:$0x0];
	s14 =	sand.u32 $0x1, s0  }
0x3: {  	s1 =	stileid.u32;
	s2 =	simm.s32 $0x0;
	s3 =	sshll.u32 s14, $0x6  }
0x4: {  	s0 =	rddreg [dreg:$0x1];
	s4 =	sshll.u32 s1, $0x7;
	s3 =	sadd.s32 s3, s10  }
0x5: {  	[smem:$0x7FF] =	sst s2;
	s3 =	sadd.s32 s4, s3  }
0x6: {  	_ =	strace $0x80000047;
	s4 =	simm.s32 $0x3;
	s3 =	sadd.s32 $0x2600, s3  }
0x7: {  	[tilespmem:s2], [sflag:$0x3] =	stream.linear.gather [hbm4b:s3+s2], $0x200, $0x38;
	[tilespmem:$0x8200] =	vst v63  }
0x8: {  	_ =	swait.ge [sflag:s4], $0x200  }
0x9: {  	s6 =	simm.s32 $0x80;
	[sflag:s4] =	ssyncset.done $0x0  }
0xa: {  	s7 =	simm.s32 $0x200;
	s5 =	sadd.s32 $0xF45200, s10;
	[sflag:s4] =	ssyncadd.s32 $0xFFFFFE00  }
0xb: {  	[tilespmem:s7], [sflag:$0x1] =	stream.indirect.gather [hbm4b:s5+s6], $0x80, s2, s6, $0xb8;
	[tilespmem:$0x8200] =	vst v63  }
0xc: {  	s8 =	simm.s32 $0x4200;
	s9 =	simm.s32 $0x1  }
0xd: {  	[tilespmem:s8], [sflag:$0x1] =	stream.indirect.gather [hbm4b:s5+s6], $0x80, s6, s6, $0xb8;
	[tilespmem:$0x8200] =	vst v63  }
0xe: {  	_ =	swait.ge [sflag:s9], $0x4000  }
0xf: {  	[sflag:s9] =	ssyncset.done $0x0  }
0x10: {  	s11 =	sshll.u32 s1, $0xE;
	s12 =	sshll.u32 s14, $0xD;
	[sflag:s9] =	ssyncadd.s32 $0xFFFFC000  }
0x11: {  	s11 =	sor.u32 s12, s11;
	_ =	swait.ge [sflag:s9], $0x4000  }
0x12: {  	s15 =	sadd.s32 s11, s10;
	[sflag:s9] =	ssyncset.done $0x0  }
0x13: {  	s10 =	simm.s32 $0x2;
	s11 =	sadd.s32 $0x2E00, s15;
	[sflag:s9] =	ssyncadd.s32 $0xFFFFC000  }
0x14: {  	[hbm4b:s11+s2] =	stream.linear.scatter [tilespmem:s7], [sflag:$0x2], $0x8000, $0x38;
	[tilespmem:$0x8200] =	vst v63  }
0x15: {  	_ =	swait.ge [sflag:s10], $0x8000  }
0x16: {  	[sflag:s10] =	ssyncset.done $0x0  }
0x17: {  	s12 =	simm.s32 $0x100;
	[sflag:s10] =	ssyncadd.s32 $0xFFFF8000  }
0x18: {  	[tilespmem:s7], [sflag:$0x1] =	stream.indirect.gather [hbm4b:s5+s6], $0x80, s12, s6, $0xb8;
	[tilespmem:$0x8200] =	vst v63  }
0x19: {  	s13 =	simm.s32 $0x180;
	s14 =	ssub.s32 $0x2, s14  }
0x1a: {  	[tilespmem:s8], [sflag:$0x1] =	stream.indirect.gather [hbm4b:s5+s6], $0x80, s13, s6, $0xb8;
	[tilespmem:$0x8200] =	vst v63  }
0x1b: {  	s16 =	sshrl.u32 s14, $0x1;
	_ =	swait.ge [sflag:s9], $0x4000  }
0x1c: {  	s16 =	ssub.s32 s14, s16;
	[sflag:s9] =	ssyncset.done $0x0  }
0x1d: {  	s31 =	smax.u32 s16, $0x1;
	[sflag:s9] =	ssyncadd.s32 $0xFFFFC000  }
0x1e: {  	p0 =	sne.s32 s31, $0x1;
	_ =	swait.ge [sflag:s9], $0x4000  }
.Ltmp0:
0x1f: {  	[sflag:s9] =	ssyncset.done $0x0;
	(pc) =	sbr.rel @!p0 .LBB2_2-.Ltmp0, $4  }
0x20: {  	s14 =	sadd.s32 $0x3E00, s15;
	[sflag:s9] =	ssyncadd.s32 $0xFFFFC000  }
0x21: {  	[hbm4b:s14+s2] =	stream.linear.scatter [tilespmem:s7], [sflag:$0x2], $0x8000, $0x38;
	[tilespmem:$0x8200] =	vst v63  }
0x22: {  	_ =	swait.ge [sflag:s10], $0x8000  }
0x23: {  	s15 =	sadd.s32 $0xFFFFFFFF, s31;
	[sflag:s10] =	ssyncset.done $0x0  }
.LBB2_1:
0x24: {  	p0 =	sne.s32 s15, $0x1;
	s15 =	sadd.s32 $0xFFFFFFFF, s15;
	[sflag:s10] =	ssyncadd.s32 $0xFFFF8000  }
0x25: {  	[tilespmem:s2], [sflag:$0x3] =	stream.linear.gather [hbm4b:s3+s2], $0x200, $0x38;
	[tilespmem:$0x8200] =	vst v63  }
0x26: {  	_ =	swait.ge [sflag:s4], $0x200  }
0x27: {  	[sflag:s4] =	ssyncset.done $0x0  }
0x28: {  	[sflag:s4] =	ssyncadd.s32 $0xFFFFFE00  }
0x29: {  	[tilespmem:s7], [sflag:$0x1] =	stream.indirect.gather [hbm4b:s5+s6], $0x80, s2, s6, $0xb8;
	[tilespmem:$0x8200] =	vst v63  }
0x2a: {  	_ = 	snop  }
0x2b: {  	[tilespmem:s8], [sflag:$0x1] =	stream.indirect.gather [hbm4b:s5+s6], $0x80, s6, s6, $0xb8;
	[tilespmem:$0x8200] =	vst v63  }
0x2c: {  	_ =	swait.ge [sflag:s9], $0x4000  }
0x2d: {  	[sflag:s9] =	ssyncset.done $0x0  }
0x2e: {  	[sflag:s9] =	ssyncadd.s32 $0xFFFFC000  }
0x2f: {  	_ =	swait.ge [sflag:s9], $0x4000  }
0x30: {  	[sflag:s9] =	ssyncset.done $0x0  }
0x31: {  	[sflag:s9] =	ssyncadd.s32 $0xFFFFC000  }
0x32: {  	[hbm4b:s11+s2] =	stream.linear.scatter [tilespmem:s7], [sflag:$0x2], $0x8000, $0x38;
	[tilespmem:$0x8200] =	vst v63  }
0x33: {  	_ =	swait.ge [sflag:s10], $0x8000  }
0x34: {  	[sflag:s10] =	ssyncset.done $0x0  }
0x35: {  	[sflag:s10] =	ssyncadd.s32 $0xFFFF8000  }
0x36: {  	[tilespmem:s7], [sflag:$0x1] =	stream.indirect.gather [hbm4b:s5+s6], $0x80, s12, s6, $0xb8;
	[tilespmem:$0x8200] =	vst v63  }
0x37: {  	_ = 	snop  }
0x38: {  	[tilespmem:s8], [sflag:$0x1] =	stream.indirect.gather [hbm4b:s5+s6], $0x80, s13, s6, $0xb8;
	[tilespmem:$0x8200] =	vst v63  }
0x39: {  	_ =	swait.ge [sflag:s9], $0x4000  }
0x3a: {  	[sflag:s9] =	ssyncset.done $0x0  }
0x3b: {  	[sflag:s9] =	ssyncadd.s32 $0xFFFFC000  }
0x3c: {  	_ =	swait.ge [sflag:s9], $0x4000  }
.Ltmp1:
0x3d: {  	[sflag:s9] =	ssyncset.done $0x0;
	(pc) =	sbr.rel @p0 .LBB2_1-.Ltmp1, $4  }
0x3e: {  	[sflag:s9] =	ssyncadd.s32 $0xFFFFC000  }
0x3f: {  	[hbm4b:s14+s2] =	stream.linear.scatter [tilespmem:s7], [sflag:$0x2], $0x8000, $0x38;
	[tilespmem:$0x8200] =	vst v63  }
0x40: {  	_ =	swait.ge [sflag:s10], $0x8000  }
0x41: {  	[sflag:s10] =	ssyncset.done $0x0  }
.LBB2_2:
0x42: {  	[sflag:s10] =	ssyncadd.s32 $0xFFFF8000  }
0x43: {  	_ =	sfence.sel $0x180000  }
0x44: {  	[bflag:$0x0] =	sbarrier.arrive $0xFFFF  }
0x45: {  	p0 =	sne.s32 s1, $0x0;
	_ =	strace $0x90000047  }
0x46: {  	s0 =	sadd.s32 @!p0 $0x100000, s0;
	[bflag:$0x2] =	sbarrier.arrive $0xFFFF  }
0x47: {  	[sflag:s0] =	ssyncadd.tile.s32 @!p0 $0x1;
	_ =	shalt  }
.Lfunc_end2:
_tile_overlayer_lowered:
.L_overlay_start_2:
0x48: {  	(tag) =	ssettag $0x2  }
0x49: {  	s0 =	rddreg [dreg:$0x0];
	s2 =	stileid.u32  }
0x4a: {  	s1 =	rddreg [dreg:$0x1];
	p0 =	sne.s32 s2, $0x0  }
0x4b: {  	s3 =	rddreg [dreg:$0x2];
	[bflag:$0x3] =	sbarrier.arrive $0xFFFF;
	s2 =	simm.s32 @!p0 $0x1C03  }
0x4c: {  	[timem:s3], [sflag:s2] =	dma.local @!p0 [hbm:s0], s1  }
0x4d: {  	s0 =	simm.s32 @!p0 $0x3  }
0x4e: {  	_ =	swait.ge @!p0 [sflag:s0], s1  }
0x4f: {  	s1 =	ssub.s32 @!p0 $0x0, s1;
	[sflag:s0] =	ssyncset.done @!p0 $0x0  }
0x50: {  	[sflag:s0] =	ssyncadd.s32 @!p0 s1  }
0x51: {  	[bflag:$0x3] =	sbarrier.arrive $0xFFFF  }
0x52: {  	_ =	shalt  }

// kernel: kernel.7.cloned.1.call-start
scs
__scs_entry_jumppad:
0x0: {  	(pc) =	sbr.rel $0x88, $3  }
0x1: {  	(tag) =	ssettag $0x0;
	lr =	simm.s32 $0x1  }
0x2: {  	[smem:$0x3F95] =	sst lr;
	_ =	strace $0xD0000000  }
0x3: {  	_ = 	snop  }
0x4: {  	_ = 	snop  }
0x5: {  	_ = 	snop  }
0x6: {  	_ = 	snop  }
0x7: {  	_ = 	snop  }
__scs_overlays_trampoline_lowered:
0x8: {  	[smem:$0x3FA4] =	sst s0  }
0x9: {  	[smem:$0x3FA5] =	sst s1  }
0xa: {  	[smem:$0x3FA6] =	sst s2  }
0xb: {  	[smem:$0x3FA7] =	sst s3  }
0xc: {  	[smem:$0x3FA8] =	sst s4  }
0xd: {  	[smem:$0x3FA9] =	sst s5  }
0xe: {  	[smem:$0x3FAA] =	sst s6  }
0xf: {  	[smem:$0x3FAB] =	sst s7  }
0x10: {  	[smem:$0x3FAC] =	sst s8  }
0x11: {  	[smem:$0x3FAD] =	sst s9;
	s0 =	simm.s32 @!p0 $0x0  }
0x12: {  	s1 =	sld [smem:$0x3F93];
	s0 =	simm.s32 @p0 $0x1  }
0x13: {  	[smem:$0x3FAE] =	sst s0;
	s0 =	simm.s32 @!p1 $0x0  }
0x14: {  	s2 =	sld [smem:$0x3F92];
	s0 =	simm.s32 @p1 $0x1  }
0x15: {  	[smem:$0x3FAF] =	sst s0;
	s0 =	simm.s32 @!p2 $0x0  }
0x16: {  	s3 =	sld [smem:$0x3FDB];
	s0 =	simm.s32 @p2 $0x1  }
0x17: {  	s4 =	simm.s32 $0x1BF5;
	[smem:$0x3FB1] =	sst s0  }
0x18: {  	s0 =	sld [smem:$0x3F94];
	_ =	swait.ge [sflag:s4], $0x0  }
0x19: {  	s7 =	sld [smem:$0x3F95]  }
0x1a: {  	s8 =	sadd.s32 $0xFFFFE003, lr  }
0x1b: {  	s9 =	sadd.s32 $0xFFFFFEF7, lr;
	s5 =	simm.s32 $0xFFFFFFFF;
	p2 =	slt.u32 s8, $0xFFFFF086  }
0x1c: {  	p1 =	slt.u32 s9, $0xF7A;
	s5 =	simm.s32 @!p2 $0x0  }
0x1d: {  	s5 =	simm.s32 @p1 $0x1;
	p0 =	seq.s32 s7, s2  }
0x1e: {  	s7 =	smul.u32 @!p0 $0xF7A, s2;
	p2 =	seq.s32 @!p0 s5, $0x0  }
0x1f: {  	s9 =	smul.u32 $0xF7A, s1;
	s8 =	simm.s32 @!p0 $0x1BF5;
	p2 =	por !p2, p0  }
0x20: {  	[sflag:s8] =	ssyncset.s32 @!p0 $0xFFFFF086;
	s6 =	sadd.s32 @!p0 s3, s7;
	s7 =	simm.s32 @!p0 $0x108  }
0x21: {  	s3 =	sadd.s32 s3, s9;
	s6 =	sadd.s32 @!p0 $0x88, s6;
	s7 =	simm.s32 @p2 $0x1082  }
0x22: {  	[simem:s7], [sflag:s8] =	dma.local @!p0 [hbm:s6], $0xF7A  }
0x23: {  	s9 =	sor.u32 $0xD0000000, s2;
	s6 =	simm.s32 $0x108;
	_ =	swait.ge @!p0 [sflag:s8], $0x0  }
0x24: {  	s3 =	sadd.s32 $0x88, s3;
	s6 =	simm.s32 @!p1 $0x1082;
	[sflag:s4] =	ssyncset.s32 $0xFFFFF086  }
0x25: {  	[simem:s6], [sflag:s4] =	dma.local [hbm:s3], $0xF7A  }
0x26: {  	[smem:$0x3F95] =	sst s1;
	(tag) =	ssettag s2;
	_ =	strace s9  }
0x27: {  	s1 =	sld [smem:$0x3FA5]  }
0x28: {  	s2 =	sld [smem:$0x3FA6]  }
0x29: {  	s4 =	sld [smem:$0x3FA8]  }
0x2a: {  	p0 =	seq.s32 s5, $0x0;
	s5 =	sld [smem:$0x3FA9]  }
0x2b: {  	s6 =	sld [smem:$0x3FAA]  }
0x2c: {  	s7 =	sld [smem:$0x3FAB]  }
0x2d: {  	s3 =	simm.s32 $0x108;
	s8 =	sld [smem:$0x3FAC]  }
0x2e: {  	s3 =	simm.s32 @!p0 $0x1082;
	s9 =	sld [smem:$0x3FAD]  }
0x2f: {  	lr =	sadd.s32 s0, s3;
	s0 =	sld [smem:$0x3FA4]  }
0x30: {  	s3 =	sld [smem:$0x3FA7]  }
0x31: {  	[smem:$0x3FB0] =	sst s10  }
0x32: {  	s10 =	sld [smem:$0x3FAE];
	_ =	sdelay $0x3  }
0x33: {  	p0 =	seq.s32 s10, $0x1;
	s10 =	sld [smem:$0x3FB0];
	_ =	sdelay $0x3  }
0x34: {  	[smem:$0x3FB0] =	sst s10  }
0x35: {  	s10 =	sld [smem:$0x3FAF];
	_ =	sdelay $0x3  }
0x36: {  	p1 =	seq.s32 s10, $0x1;
	s10 =	sld [smem:$0x3FB0];
	_ =	sdelay $0x3  }
0x37: {  	[smem:$0x3FB0] =	sst s10  }
0x38: {  	s10 =	sld [smem:$0x3FB1]  }
0x39: {  	_ = 	snop;
	(pc) =	sbr.ind lr, $3  }
0x3a: {  	_ = 	snop  }
0x3b: {  	_ = 	snop  }
0x3c: {  	p2 =	seq.s32 s10, $0x1;
	s10 =	sld [smem:$0x3FB0]  }
0x3d: {  	_ =	shalt  }
0x3e: {  	_ =	shalt  }
0x3f: {  	_ =	shalt  }
0x40: {  	_ =	shalt  }
0x41: {  	_ =	shalt  }
0x42: {  	_ =	shalt  }
0x43: {  	_ =	shalt  }
0x44: {  	_ =	shalt  }
0x45: {  	_ =	shalt  }
0x46: {  	_ =	shalt  }
0x47: {  	_ =	shalt  }
0x48: {  	_ =	shalt  }
0x49: {  	_ =	shalt  }
0x4a: {  	_ =	shalt  }
0x4b: {  	_ =	shalt  }
0x4c: {  	_ =	shalt  }
0x4d: {  	_ =	shalt  }
0x4e: {  	_ =	shalt  }
0x4f: {  	_ =	shalt  }
0x50: {  	_ =	shalt  }
0x51: {  	_ =	shalt  }
0x52: {  	_ =	shalt  }
0x53: {  	_ =	shalt  }
0x54: {  	_ =	shalt  }
0x55: {  	_ =	shalt  }
0x56: {  	_ =	shalt  }
0x57: {  	_ =	shalt  }
0x58: {  	_ =	shalt  }
0x59: {  	_ =	shalt  }
0x5a: {  	_ =	shalt  }
0x5b: {  	_ =	shalt  }
0x5c: {  	_ =	shalt  }
0x5d: {  	_ =	shalt  }
0x5e: {  	_ =	shalt  }
0x5f: {  	_ =	shalt  }
0x60: {  	_ =	shalt  }
0x61: {  	_ =	shalt  }
0x62: {  	_ =	shalt  }
0x63: {  	_ =	shalt  }
0x64: {  	_ =	shalt  }
0x65: {  	_ =	shalt  }
0x66: {  	_ =	shalt  }
0x67: {  	_ =	shalt  }
0x68: {  	_ =	shalt  }
0x69: {  	_ =	shalt  }
0x6a: {  	_ =	shalt  }
0x6b: {  	_ =	shalt  }
0x6c: {  	_ =	shalt  }
0x6d: {  	_ =	shalt  }
0x6e: {  	_ =	shalt  }
0x6f: {  	_ =	shalt  }
0x70: {  	_ =	shalt  }
0x71: {  	_ =	shalt  }
0x72: {  	_ =	shalt  }
0x73: {  	_ =	shalt  }
0x74: {  	_ =	shalt  }
0x75: {  	_ =	shalt  }
0x76: {  	_ =	shalt  }
0x77: {  	_ =	shalt  }
0x78: {  	_ =	shalt  }
0x79: {  	_ =	shalt  }
0x7a: {  	_ =	shalt  }
0x7b: {  	_ =	shalt  }
0x7c: {  	_ =	shalt  }
0x7d: {  	_ =	shalt  }
0x7e: {  	_ =	shalt  }
0x7f: {  	_ =	shalt  }
0x80: {  	_ =	shalt  }
0x81: {  	_ =	shalt  }
0x82: {  	_ =	shalt  }
0x83: {  	_ =	shalt  }
0x84: {  	_ =	shalt  }
0x85: {  	_ =	shalt  }
0x86: {  	_ =	shalt  }
0x87: {  	_ =	shalt  }
.Lfunc_end0:
.L_simem_size_0:
called_computation_lowered:
.L_overlay_start_0:
0x88: {  	s2 =	sld [smem:$0x3FD9]  }
0x89: {  	s3 =	sld [smem:$0x3FFE];
	_ =	sdelay $0x1  }
0x8a: {  	s1 =	srdreg.scid  }
0x8b: {  	s0 =	sand.u32 $0x1, s1  }
0x8c: {  	s17 =	sshll.u32 s0, $0xA;
	s2 =	sadd.s32 s3, s2  }
0x8d: {  	s2 =	sadd.s32 s2, s17  }
0x8e: {  	[smem:$0x3FBC] =	sst s2  }
0x8f: {  	_ = 	snop  }
0x90: {  	(tm) =	ssettm $0x1  }
0x91: {  	s18 =	sld [smem:$0x3FFB];
	_ =	sdelay $0x3  }
0x92: {  	_ =	strace s18  }
0x93: {  	s2 =	sld [smem:$0x3FFC];
	_ =	sdelay $0x3  }
0x94: {  	_ =	strace s2  }
0x95: {  	s2 =	sld [smem:$0x3FFD];
	_ =	sdelay $0x3  }
0x96: {  	_ =	strace s2  }
0x97: {  	_ =	strace $0x8FFFFFFF  }
0x98: {  	s19 =	sld [smem:$0x3FDB];
	_ =	sdelay $0x1  }
0x99: {  	s20 =	simm.s32 $_scs_section_size  }
0x9a: {  	s4 =	simm.s32 $_size__tile_overlayer_lowered;
	s5 =	simm.s32 $_tile_overlayer_lowered  }
0x9b: {  	s6 =	simm.s32 $0x1BFF;
	s21 =	sshll.u32 s5, $0x1;
	s3 =	sadd.s32 s20, s19  }
0x9c: {  	s22 =	simm.s32 $0x0;
	s4 =	sshll.u32 s4, $0x1;
	s5 =	sadd.s32 s21, s3  }
0x9d: {  	[timem:s22], [sflag:s6] =	dma.local [hbm:s5], s4  }
0x9e: {  	_ =	swait.ge [sflag:s6], s4  }
0x9f: {  	s4 =	ssub.s32 $0x0, s4;
	[sflag:s6] =	ssyncset.done $0x0  }
0xa0: {  	[sflag:s6] =	ssyncadd.s32 s4;
	_ =	sdelay $0x1  }
0xa1: {  	s23 =	simm.s32 $0x1B8B  }
0xa2: {  	_ =	swait.ge [sflag:s23], $0x1  }
0xa3: {  	[sflag:s23] =	ssyncset.done $0x0  }
0xa4: {  	[sflag:s23] =	ssyncadd.s32 $0xFFFFFFFF  }
0xa5: {  	s4 =	sld [smem:$0x0]  }
0xa6: {  	s5 =	sand.u32 $0xFFFFFFFE, s1  }
0xa7: {  	p0 =	sne.s32 s1, s5  }
0xa8: {  	s5 =	sshll.u32 @p0 s5, $0xE  }
0xa9: {  	s5 =	sadd.s32 @p0 $0x11B8D, s5;
	s6 =	sshll.u32 @p0 s4, $0x11  }
0xaa: {  	s5 =	sor.u32 @p0 s6, s5  }
0xab: {  	[sflag:s5] =	ssyncadd.remote.s32 @p0 $0x1;
	_ =	sdelay $0x1  }
0xac: {  	s5 =	simm.s32 @p0 $0x1B8D  }
0xad: {  	_ =	swait.eq @p0 [sflag:s5], $0x1  }
0xae: {  	[sflag:s5] =	ssyncadd.s32 @p0 $0xFFFFFFFF  }
0xaf: {  	s6 =	sshll.u32 @!p0 s1, $0xE  }
0xb0: {  	s6 =	sor.u32 @!p0 $0x4000, s6;
	s5 =	simm.s32 @!p0 $0x1B8D  }
0xb1: {  	s4 =	sshll.u32 @!p0 s4, $0x11;
	s6 =	sadd.s32 @!p0 $0x11B8D, s6;
	_ =	swait.eq @!p0 [sflag:s5], $0x1  }
0xb2: {  	s4 =	sor.u32 @!p0 s4, s6;
	[sflag:s5] =	ssyncadd.s32 @!p0 $0xFFFFFFFF  }
0xb3: {  	s25 =	simm.s32 $0x1B8E;
	s24 =	sld [smem:$0x3FFE];
	[sflag:s4] =	ssyncadd.remote.s32 @!p0 $0x1  }
0xb4: {  	s26 =	simm.s32 $execute0_lowered;
	[smem:$0x3FD2] =	sst s25  }
0xb5: {  	s5 =	sshll.u32 s26, $0x1;
	_ =	strace $0x80000049;
	[dreg:$0x1] =	wrdreg $0xFFFFFFFF  }
0xb6: {  	s28 =	simm.s32 $_size_execute0_lowered;
	s3 =	sadd.s32 s3, s5;
	[dreg:$0x0] =	wrdreg $0x0  }
0xb7: {  	s5 =	sshll.u32 s28, $0x1;
	[dreg:$0x2] =	wrdreg s3  }
0xb8: {  	[dreg:$0x3] =	wrdreg s5  }
0xb9: {  	[dreg:$0x4] =	wrdreg $0xC0  }
0xba: {  	_ =	task [dreg:s22], $0x5FFFF  }
0xbb: {  	[dreg:$0x1] =	wrdreg $0xFFFFFFFF  }
0xbc: {  	[dreg:$0x0] =	wrdreg $0x60  }
0xbd: {  	[dreg:$0x2] =	wrdreg s24  }
0xbe: {  	[dreg:$0x3] =	wrdreg $0x9  }
0xbf: {  	_ =	task.clear_ibuf [dreg:s22], $0x4FFFF;
	_ =	strace $0x90000049  }
0xc0: {  	s29 =	simm.s32 $0x9;
	_ =	strace $0x8000004B  }
0xc1: {  	_ =	swait.ge [sflag:s29], $0x1  }
0xc2: {  	[sflag:s29] =	ssyncadd.s32 $0xFFFFFFFF  }
0xc3: {  	_ =	strace $0x9000004B  }
0xc4: {  	_ =	sfence  }
0xc5: {  	s30 =	sld [smem:$0x0];
	_ =	sdelay $0x2  }
0xc6: {  	s31 =	sshll.u32 s1, $0xD;
	s1 =	sshrl.u32 s1, $0x2  }
0xc7: {  	s4 =	sand.u32 $0x4000, s31;
	s1 =	sadd.s32 s1, s30  }
0xc8: {  	s0 =	sor.u32 s4, s0;
	s1 =	sshll.u32 s1, $0x11  }
0xc9: {  	s0 =	sor.u32 s1, s0  }
0xca: {  	s0 =	sadd.s32 $0x8F2B, s0  }
0xcb: {  	[sflag:s0] =	ssyncadd.remote.s32 $0x1  }
0xcc: {  	_ =	sfence.sel $0xFFFF  }
0xcd: {  	[dreg:$0x0] =	wrdreg $0xFFFFFFFF;
	(pc) =	sbr.abs _section_cstart, $3  }
0xce: {  	[dreg:$0x1] =	wrdreg $0xFFFFFFFF  }
0xcf: {  	_ =	task.clear_ibuf [dreg:s22], $0x2FFFF;
	_ =	strace $0x9FFFFFFF  }
0xd0: {  	(tm) =	ssettm $0x7FFFFFFF  }
0xd1: {  	_ =	shalt  }
tec
execute0_lowered:
.L_overlay_start_1:
0x0: {  	(tag) =	ssettag $0x1  }
0x1: {  	s0 =	srdreg.scid  }
0x2: {  	s10 =	rddreg [dreg:$0x0];
	s14 =	sand.u32 $0x1, s0  }
0x3: {  	s1 =	stileid.u32;
	s2 =	simm.s32 $0x0;
	s3 =	sshll.u32 s14, $0x6  }
0x4: {  	s0 =	rddreg [dreg:$0x1];
	s4 =	sshll.u32 s1, $0x7;
	s3 =	sadd.s32 s3, s10  }
0x5: {  	[smem:$0x7FF] =	sst s2;
	s3 =	sadd.s32 s4, s3  }
0x6: {  	_ =	strace $0x8000004A;
	s4 =	simm.s32 $0x3;
	s3 =	sadd.s32 $0x42E00, s3  }
0x7: {  	[tilespmem:s2], [sflag:$0x3] =	stream.linear.gather [hbm4b:s3+s2], $0x200, $0x38;
	[tilespmem:$0x8200] =	vst v63  }
0x8: {  	_ =	swait.ge [sflag:s4], $0x200  }
0x9: {  	s6 =	simm.s32 $0x80;
	[sflag:s4] =	ssyncset.done $0x0  }
0xa: {  	s7 =	simm.s32 $0x200;
	s5 =	sadd.s32 $0x1C9800, s10;
	[sflag:s4] =	ssyncadd.s32 $0xFFFFFE00  }
0xb: {  	[tilespmem:s7], [sflag:$0x1] =	stream.indirect.gather [hbm4b:s5+s6], $0x80, s2, s6, $0xb8;
	[tilespmem:$0x8200] =	vst v63  }
0xc: {  	s8 =	simm.s32 $0x4200;
	s9 =	simm.s32 $0x1  }
0xd: {  	[tilespmem:s8], [sflag:$0x1] =	stream.indirect.gather [hbm4b:s5+s6], $0x80, s6, s6, $0xb8;
	[tilespmem:$0x8200] =	vst v63  }
0xe: {  	_ =	swait.ge [sflag:s9], $0x4000  }
0xf: {  	[sflag:s9] =	ssyncset.done $0x0  }
0x10: {  	s11 =	sshll.u32 s1, $0xE;
	s12 =	sshll.u32 s14, $0xD;
	[sflag:s9] =	ssyncadd.s32 $0xFFFFC000  }
0x11: {  	s11 =	sor.u32 s12, s11;
	_ =	swait.ge [sflag:s9], $0x4000  }
0x12: {  	s15 =	sadd.s32 s11, s10;
	[sflag:s9] =	ssyncset.done $0x0  }
0x13: {  	s10 =	simm.s32 $0x2;
	s11 =	sadd.s32 $0x43600, s15;
	[sflag:s9] =	ssyncadd.s32 $0xFFFFC000  }
0x14: {  	[hbm4b:s11+s2] =	stream.linear.scatter [tilespmem:s7], [sflag:$0x2], $0x8000, $0x38;
	[tilespmem:$0x8200] =	vst v63  }
0x15: {  	_ =	swait.ge [sflag:s10], $0x8000  }
0x16: {  	[sflag:s10] =	ssyncset.done $0x0  }
0x17: {  	s12 =	simm.s32 $0x100;
	[sflag:s10] =	ssyncadd.s32 $0xFFFF8000  }
0x18: {  	[tilespmem:s7], [sflag:$0x1] =	stream.indirect.gather [hbm4b:s5+s6], $0x80, s12, s6, $0xb8;
	[tilespmem:$0x8200] =	vst v63  }
0x19: {  	s13 =	simm.s32 $0x180;
	s14 =	ssub.s32 $0x2, s14  }
0x1a: {  	[tilespmem:s8], [sflag:$0x1] =	stream.indirect.gather [hbm4b:s5+s6], $0x80, s13, s6, $0xb8;
	[tilespmem:$0x8200] =	vst v63  }
0x1b: {  	s16 =	sshrl.u32 s14, $0x1;
	_ =	swait.ge [sflag:s9], $0x4000  }
0x1c: {  	s16 =	ssub.s32 s14, s16;
	[sflag:s9] =	ssyncset.done $0x0  }
0x1d: {  	s31 =	smax.u32 s16, $0x1;
	[sflag:s9] =	ssyncadd.s32 $0xFFFFC000  }
0x1e: {  	p0 =	sne.s32 s31, $0x1;
	_ =	swait.ge [sflag:s9], $0x4000  }
.Ltmp0:
0x1f: {  	[sflag:s9] =	ssyncset.done $0x0;
	(pc) =	sbr.rel @!p0 .LBB2_2-.Ltmp0, $4  }
0x20: {  	s14 =	sadd.s32 $0x44600, s15;
	[sflag:s9] =	ssyncadd.s32 $0xFFFFC000  }
0x21: {  	[hbm4b:s14+s2] =	stream.linear.scatter [tilespmem:s7], [sflag:$0x2], $0x8000, $0x38;
	[tilespmem:$0x8200] =	vst v63  }
0x22: {  	_ =	swait.ge [sflag:s10], $0x8000  }
0x23: {  	s15 =	sadd.s32 $0xFFFFFFFF, s31;
	[sflag:s10] =	ssyncset.done $0x0  }
.LBB2_1:
0x24: {  	p0 =	sne.s32 s15, $0x1;
	s15 =	sadd.s32 $0xFFFFFFFF, s15;
	[sflag:s10] =	ssyncadd.s32 $0xFFFF8000  }
0x25: {  	[tilespmem:s2], [sflag:$0x3] =	stream.linear.gather [hbm4b:s3+s2], $0x200, $0x38;
	[tilespmem:$0x8200] =	vst v63  }
0x26: {  	_ =	swait.ge [sflag:s4], $0x200  }
0x27: {  	[sflag:s4] =	ssyncset.done $0x0  }
0x28: {  	[sflag:s4] =	ssyncadd.s32 $0xFFFFFE00  }
0x29: {  	[tilespmem:s7], [sflag:$0x1] =	stream.indirect.gather [hbm4b:s5+s6], $0x80, s2, s6, $0xb8;
	[tilespmem:$0x8200] =	vst v63  }
0x2a: {  	_ = 	snop  }
0x2b: {  	[tilespmem:s8], [sflag:$0x1] =	stream.indirect.gather [hbm4b:s5+s6], $0x80, s6, s6, $0xb8;
	[tilespmem:$0x8200] =	vst v63  }
0x2c: {  	_ =	swait.ge [sflag:s9], $0x4000  }
0x2d: {  	[sflag:s9] =	ssyncset.done $0x0  }
0x2e: {  	[sflag:s9] =	ssyncadd.s32 $0xFFFFC000  }
0x2f: {  	_ =	swait.ge [sflag:s9], $0x4000  }
0x30: {  	[sflag:s9] =	ssyncset.done $0x0  }
0x31: {  	[sflag:s9] =	ssyncadd.s32 $0xFFFFC000  }
0x32: {  	[hbm4b:s11+s2] =	stream.linear.scatter [tilespmem:s7], [sflag:$0x2], $0x8000, $0x38;
	[tilespmem:$0x8200] =	vst v63  }
0x33: {  	_ =	swait.ge [sflag:s10], $0x8000  }
0x34: {  	[sflag:s10] =	ssyncset.done $0x0  }
0x35: {  	[sflag:s10] =	ssyncadd.s32 $0xFFFF8000  }
0x36: {  	[tilespmem:s7], [sflag:$0x1] =	stream.indirect.gather [hbm4b:s5+s6], $0x80, s12, s6, $0xb8;
	[tilespmem:$0x8200] =	vst v63  }
0x37: {  	_ = 	snop  }
0x38: {  	[tilespmem:s8], [sflag:$0x1] =	stream.indirect.gather [hbm4b:s5+s6], $0x80, s13, s6, $0xb8;
	[tilespmem:$0x8200] =	vst v63  }
0x39: {  	_ =	swait.ge [sflag:s9], $0x4000  }
0x3a: {  	[sflag:s9] =	ssyncset.done $0x0  }
0x3b: {  	[sflag:s9] =	ssyncadd.s32 $0xFFFFC000  }
0x3c: {  	_ =	swait.ge [sflag:s9], $0x4000  }
.Ltmp1:
0x3d: {  	[sflag:s9] =	ssyncset.done $0x0;
	(pc) =	sbr.rel @p0 .LBB2_1-.Ltmp1, $4  }
0x3e: {  	[sflag:s9] =	ssyncadd.s32 $0xFFFFC000  }
0x3f: {  	[hbm4b:s14+s2] =	stream.linear.scatter [tilespmem:s7], [sflag:$0x2], $0x8000, $0x38;
	[tilespmem:$0x8200] =	vst v63  }
0x40: {  	_ =	swait.ge [sflag:s10], $0x8000  }
0x41: {  	[sflag:s10] =	ssyncset.done $0x0  }
.LBB2_2:
0x42: {  	[sflag:s10] =	ssyncadd.s32 $0xFFFF8000  }
0x43: {  	_ =	sfence.sel $0x180000  }
0x44: {  	[bflag:$0x0] =	sbarrier.arrive $0xFFFF  }
0x45: {  	p0 =	sne.s32 s1, $0x0;
	_ =	strace $0x9000004A  }
0x46: {  	s0 =	sadd.s32 @!p0 $0x100000, s0;
	[bflag:$0x2] =	sbarrier.arrive $0xFFFF  }
0x47: {  	[sflag:s0] =	ssyncadd.tile.s32 @!p0 $0x1;
	_ =	shalt  }
.Lfunc_end2:
_tile_overlayer_lowered:
.L_overlay_start_2:
0x48: {  	(tag) =	ssettag $0x2  }
0x49: {  	s0 =	rddreg [dreg:$0x0];
	s2 =	stileid.u32  }
0x4a: {  	s1 =	rddreg [dreg:$0x1];
	p0 =	sne.s32 s2, $0x0  }
0x4b: {  	s3 =	rddreg [dreg:$0x2];
	[bflag:$0x3] =	sbarrier.arrive $0xFFFF;
	s2 =	simm.s32 @!p0 $0x1C03  }
0x4c: {  	[timem:s3], [sflag:s2] =	dma.local @!p0 [hbm:s0], s1  }
0x4d: {  	s0 =	simm.s32 @!p0 $0x3  }
0x4e: {  	_ =	swait.ge @!p0 [sflag:s0], s1  }
0x4f: {  	s1 =	ssub.s32 @!p0 $0x0, s1;
	[sflag:s0] =	ssyncset.done @!p0 $0x0  }
0x50: {  	[sflag:s0] =	ssyncadd.s32 @!p0 s1  }
0x51: {  	[bflag:$0x3] =	sbarrier.arrive $0xFFFF  }
0x52: {  	_ =	shalt  }

</sc_bundles>
